<compile_context>
chip_gen: v7x
topology: tpu7x:2x2x1
jax: 0.10.2.dev20260603
libtpu: 0.0.44.dev20260713+nightly
codegen_flags: <defaults>
</compile_context>

<pallas_src>
import functools

import jax
import jax.numpy as jnp
from jax import lax
from jax.experimental import pallas as pl
from jax.experimental.pallas import tpu as pltpu
import jax.experimental.pallas.tpu_sc as plsc

N_NODES = 10000
N_EDGES = 640000
N_SOLV = 2560
NUM_GRAPHS = 128
D_ATOM = 40
EMB = 64
NUM_LAYER = 3

NC = 2
NS = 16
NW = NC * NS
EB = 128
STEPS = 158
E_PAD = NW * STEPS * EB
N_PAD = 10240
R_T = N_PAD // NS

_HIGH = jax.lax.Precision.DEFAULT
_EXACT = jax.lax.Precision.HIGHEST


NB = 4


def _edge_agg_body(h_hbm, src_hbm, dst_hbm, z_hbm, out_hbm,
                   src_v, dst_v, rows_v, agg_sh, gsem, ssem):
    c = lax.axis_index("c")
    s = lax.axis_index("s")
    wid = c * NS + s
    pltpu.sync_copy(z_hbm, agg_sh.at[pl.ds(s * R_T, R_T)])
    pltpu.sync_copy(src_hbm.at[wid], src_v)
    pltpu.sync_copy(dst_hbm.at[wid], dst_v)
    plsc.subcore_barrier()

    for b in range(2):
        pltpu.async_copy(h_hbm.at[src_v.at[b]], rows_v.at[b], gsem.at[b])

    def step(j, carry):
        buf = lax.rem(j, NB)
        pltpu.make_async_copy(h_hbm.at[src_v.at[j]], rows_v.at[buf],
                              gsem.at[buf]).wait()
        pltpu.async_copy(rows_v.at[buf], agg_sh.at[dst_v.at[j]],
                         ssem.at[buf], add=True)

        nbuf = lax.rem(j + 2, NB)

        @pl.when(jnp.logical_and(j >= 2, j + 2 < STEPS))
        def _drain():
            pltpu.make_async_copy(rows_v.at[nbuf],
                                  agg_sh.at[dst_v.at[j - 2]],
                                  ssem.at[nbuf]).wait()

        @pl.when(j + 2 < STEPS)
        def _refill():
            pltpu.async_copy(h_hbm.at[src_v.at[j + 2]], rows_v.at[nbuf],
                             gsem.at[nbuf])

        return carry

    lax.fori_loop(0, STEPS, step, 0)
    for jj in range(STEPS - 4, STEPS):
        pltpu.make_async_copy(rows_v.at[jj % NB], agg_sh.at[dst_v.at[jj]],
                              ssem.at[jj % NB]).wait()
    plsc.subcore_barrier()
    base = c * N_PAD + s * R_T
    pltpu.sync_copy(agg_sh.at[pl.ds(s * R_T, R_T)], out_hbm.at[pl.ds(base, R_T)])


def _edge_agg(h, src_r, dst_r, z):
    mesh = plsc.VectorSubcoreMesh(core_axis_name="c", subcore_axis_name="s",
                                  num_cores=NC, num_subcores=NS)
    return pl.kernel(
        _edge_agg_body,
        out_type=jax.ShapeDtypeStruct((NC * N_PAD, EMB), jnp.float32),
        mesh=mesh,
        scratch_types=[
            pltpu.VMEM((STEPS, EB), jnp.int32),
            pltpu.VMEM((STEPS, EB), jnp.int32),
            pltpu.VMEM((NB, EB, EMB), jnp.float32),
            pltpu.VMEM_SHARED((N_PAD, EMB), jnp.float32),
            pltpu.SemaphoreType.DMA((NB,)),
            pltpu.SemaphoreType.DMA((NB,)),
        ],
        compiler_params=pltpu.CompilerParams(use_tc_tiling_on_sc=False),
    )(h, src_r, dst_r, z)


def _embed_body(x_ref, w_ref, b_ref, o_ref):
    o_ref[...] = jax.nn.relu(
        jnp.dot(x_ref[...], w_ref[...], precision=_HIGH,
                preferred_element_type=jnp.float32) + b_ref[...])


def _embed(x, w, b):
    return pl.pallas_call(
        _embed_body,
        out_shape=jax.ShapeDtypeStruct((N_NODES, EMB), jnp.float32),
    )(x, w, b)


def _layer_body(p0_ref, p1_ref, w_ref, b_ref, g_ref, be_ref, o_ref, *, relu):
    agg = p0_ref[...] + p1_ref[...]
    hl = jnp.dot(agg, w_ref[...], precision=_HIGH,
                 preferred_element_type=jnp.float32) + b_ref[...]
    mean = jnp.mean(hl, axis=0, keepdims=True)
    cen = hl - mean
    var = jnp.mean(cen * cen, axis=0, keepdims=True)
    hl = cen * (1.0 / jnp.sqrt(var + 1e-5)) * g_ref[...] + be_ref[...]
    if relu:
        hl = jax.nn.relu(hl)
    o_ref[...] = hl


def _layer(p, w, b, g, be, relu):
    p0 = p[:N_NODES]
    p1 = p[N_PAD:N_PAD + N_NODES]
    return pl.pallas_call(
        functools.partial(_layer_body, relu=relu),
        out_shape=jax.ShapeDtypeStruct((N_NODES, EMB), jnp.float32),
    )(p0, p1, w, b, g, be)


def _solvent_body(x_ref, w1_ref, b1_ref, w2_ref, b2_ref, o_ref):
    h = jax.nn.relu(
        jnp.dot(x_ref[...], w1_ref[...], precision=_HIGH,
                preferred_element_type=jnp.float32) + b1_ref[...])
    o_ref[...] = jnp.dot(h, w2_ref[...], precision=_HIGH,
                         preferred_element_type=jnp.float32) + b2_ref[...]


def _solvent(x, w1, b1, w2, b2):
    return pl.pallas_call(
        _solvent_body,
        out_shape=jax.ShapeDtypeStruct((N_SOLV, EMB), jnp.float32),
    )(x, w1, b1, w2, b2)


SB = 400
NSB = N_NODES // SB


def _interact_body(srep_ref, vrep_ref, sb_ref, vb_ref,
                   wo0_ref, bo0_ref, wo1_ref, bo1_ref, wo2_ref, bo2_ref,
                   wl_ref, bl_ref, o_ref,
                   sfsum, scnt, vprime):
    i = pl.program_id(0)
    vrep = vrep_ref[...]

    @pl.when(i == 0)
    def _init():
        sfsum[...] = jnp.zeros_like(sfsum)
        scnt[...] = jnp.zeros_like(scnt)
        vprime[...] = jnp.zeros_like(vprime)

    rep = srep_ref[...]
    sb = sb_ref[...]
    mask = (sb == vb_ref[...].reshape(1, N_SOLV)).astype(jnp.float32)
    imap = lax.dot_general(rep, vrep, (((1,), (1,)), ((), ())),
                           precision=_HIGH,
                           preferred_element_type=jnp.float32) * mask
    sp = jnp.dot(imap, vrep, precision=_HIGH,
                 preferred_element_type=jnp.float32)
    sf = rep + sp
    gids = lax.broadcasted_iota(jnp.int32, (NUM_GRAPHS, 1), 0).astype(jnp.float32)
    p_s = (gids == sb.reshape(1, SB)).astype(jnp.float32)
    sfsum[...] += jnp.dot(p_s, sf, precision=_EXACT,
                          preferred_element_type=jnp.float32)
    scnt[...] += jnp.sum(p_s, axis=1, keepdims=True)
    vprime[...] += lax.dot_general(imap, rep, (((0,), (0,)), ((), ())),
                                   precision=_HIGH,
                                   preferred_element_type=jnp.float32)

    @pl.when(i == NSB - 1)
    def _final():
        vf = vrep + vprime[...]
        p_v = (gids == vb_ref[...].reshape(1, N_SOLV)).astype(jnp.float32)
        vsum = jnp.dot(p_v, vf, precision=_EXACT,
                       preferred_element_type=jnp.float32)
        vcnt = jnp.sum(p_v, axis=1, keepdims=True)
        pooled_s = sfsum[...] / jnp.maximum(scnt[...], 1.0)
        pooled_v = vsum / jnp.maximum(vcnt, 1.0)
        final = jnp.concatenate([pooled_s, pooled_v], axis=1)
        h1 = jax.nn.relu(jnp.dot(final, wo0_ref[...], precision=_HIGH,
                                 preferred_element_type=jnp.float32) + bo0_ref[...])
        h2 = jax.nn.relu(jnp.dot(h1, wo1_ref[...], precision=_HIGH,
                                 preferred_element_type=jnp.float32) + bo1_ref[...])
        h3 = jax.nn.relu(jnp.dot(h2, wo2_ref[...], precision=_HIGH,
                                 preferred_element_type=jnp.float32) + bo2_ref[...])
        o_ref[...] = jnp.dot(h3, wl_ref[...], precision=_HIGH,
                             preferred_element_type=jnp.float32) + bl_ref[...]


def _interact(srep, vrep, sb_f, vb_f, wo0, bo0, wo1, bo1, wo2, bo2, wl, bl):
    const = lambda i: (0, 0)
    return pl.pallas_call(
        _interact_body,
        grid=(NSB,),
        in_specs=[
            pl.BlockSpec((SB, EMB), lambda i: (i, 0)),
            pl.BlockSpec((N_SOLV, EMB), const),
            pl.BlockSpec((SB, 1), lambda i: (i, 0)),
            pl.BlockSpec((N_SOLV, 1), const),
            pl.BlockSpec((2 * EMB, EMB), const),
            pl.BlockSpec((1, EMB), const),
            pl.BlockSpec((EMB, EMB // 2), const),
            pl.BlockSpec((1, EMB // 2), const),
            pl.BlockSpec((EMB // 2, EMB // 4), const),
            pl.BlockSpec((1, EMB // 4), const),
            pl.BlockSpec((EMB // 4, 1), const),
            pl.BlockSpec((1, 1), const),
        ],
        out_specs=pl.BlockSpec((NUM_GRAPHS, 1), const),
        out_shape=jax.ShapeDtypeStruct((NUM_GRAPHS, 1), jnp.float32),
        scratch_shapes=[
            pltpu.VMEM((NUM_GRAPHS, EMB), jnp.float32),
            pltpu.VMEM((NUM_GRAPHS, 1), jnp.float32),
            pltpu.VMEM((N_SOLV, EMB), jnp.float32),
        ],
    )(srep, vrep, sb_f, vb_f, wo0, bo0, wo1, bo1, wo2, bo2, wl, bl)


def kernel(solute_x, solute_edge_index, solute_batch, solvent_x, solvent_batch,
           W_embed, b_embed, W_gcn, b_gcn, bn_gamma, bn_beta,
           Ws1, bs1, Ws2, bs2, Wo0, bo0, Wo1, bo1, Wo2, bo2, Wlast, blast):
    src = solute_edge_index[0]
    dst = solute_edge_index[1]
    pad = E_PAD - N_EDGES
    src_r = jnp.concatenate(
        [src, jnp.zeros((pad,), jnp.int32)]).reshape(NW, STEPS, EB)
    dst_r = jnp.concatenate(
        [dst, jnp.full((pad,), N_NODES, jnp.int32)]).reshape(NW, STEPS, EB)
    z = jnp.zeros((R_T, EMB), jnp.float32)

    h = _embed(solute_x, W_embed, b_embed.reshape(1, EMB))
    for l in range(NUM_LAYER):
        p = _edge_agg(h, src_r, dst_r, z)
        h = _layer(p, W_gcn[l], b_gcn[l].reshape(1, EMB),
                   bn_gamma[l].reshape(1, EMB), bn_beta[l].reshape(1, EMB),
                   relu=(l < NUM_LAYER - 1))

    vrep = _solvent(solvent_x, Ws1, bs1.reshape(1, EMB), Ws2, bs2.reshape(1, EMB))
    out = _interact(h, vrep,
                    solute_batch.astype(jnp.float32).reshape(N_NODES, 1),
                    solvent_batch.astype(jnp.float32).reshape(N_SOLV, 1),
                    Wo0, bo0.reshape(1, EMB),
                    Wo1, bo1.reshape(1, EMB // 2),
                    Wo2, bo2.reshape(1, EMB // 4),
                    Wlast, blast.reshape(1, 1))
    return out

# --- scband reference (transcript-rebuilt; emitter-appended) ---
"""Pipeline reference for scband-gnn-1-interaction-simpler-22385369546940 (READ-ONLY COPY).

The authoritative reference and input builder live on the scoring server;
editing this copy changes nothing except your own understanding.
"""

import jax, jax.numpy as jnp
import numpy as np

N_NODES = 10000
N_EDGES = 640000
N_SOLV = 2560
NUM_GRAPHS = 128
D_ATOM = 40
EMB = 64
NUM_LAYER = 3


def setup_inputs(seed: int = 0) -> dict:
    key = jax.random.key(seed)
    ks = jax.random.split(key, 32)
    inp = {}
    inp['solute_x'] = jax.random.normal(ks[0], (N_NODES, D_ATOM), dtype=jnp.float32)
    inp['solute_edge_index'] = jax.random.randint(ks[1], (2, N_EDGES), 0, N_NODES, dtype=jnp.int32)
    inp['solute_batch'] = jnp.sort(jax.random.randint(ks[2], (N_NODES,), 0, NUM_GRAPHS, dtype=jnp.int32))
    inp['solvent_x'] = jax.random.normal(ks[3], (N_SOLV, D_ATOM), dtype=jnp.float32)
    inp['solvent_batch'] = jnp.sort(jax.random.randint(ks[4], (N_SOLV,), 0, NUM_GRAPHS, dtype=jnp.int32))
    # learned params
    inp['W_embed'] = jax.random.normal(ks[5], (D_ATOM, EMB), dtype=jnp.float32) * 0.1
    inp['b_embed'] = jnp.zeros((EMB,), dtype=jnp.float32)
    inp['W_gcn'] = jax.random.normal(ks[6], (NUM_LAYER, EMB, EMB), dtype=jnp.float32) * 0.1
    inp['b_gcn'] = jnp.zeros((NUM_LAYER, EMB), dtype=jnp.float32)
    inp['bn_gamma'] = jnp.ones((NUM_LAYER, EMB), dtype=jnp.float32)
    inp['bn_beta'] = jnp.zeros((NUM_LAYER, EMB), dtype=jnp.float32)
    inp['Ws1'] = jax.random.normal(ks[7], (D_ATOM, EMB), dtype=jnp.float32) * 0.1
    inp['bs1'] = jnp.zeros((EMB,), dtype=jnp.float32)
    inp['Ws2'] = jax.random.normal(ks[8], (EMB, EMB), dtype=jnp.float32) * 0.1
    inp['bs2'] = jnp.zeros((EMB,), dtype=jnp.float32)
    inp['Wo0'] = jax.random.normal(ks[9], (2 * EMB, EMB), dtype=jnp.float32) * 0.1
    inp['bo0'] = jnp.zeros((EMB,), dtype=jnp.float32)
    inp['Wo1'] = jax.random.normal(ks[10], (EMB, EMB // 2), dtype=jnp.float32) * 0.1
    inp['bo1'] = jnp.zeros((EMB // 2,), dtype=jnp.float32)
    inp['Wo2'] = jax.random.normal(ks[11], (EMB // 2, EMB // 4), dtype=jnp.float32) * 0.1
    inp['bo2'] = jnp.zeros((EMB // 4,), dtype=jnp.float32)
    inp['Wlast'] = jax.random.normal(ks[12], (EMB // 4, 1), dtype=jnp.float32) * 0.1
    inp['blast'] = jnp.zeros((1,), dtype=jnp.float32)
    return inp


def reference(solute_x, solute_edge_index, solute_batch, solvent_x, solvent_batch,
              W_embed, b_embed, W_gcn, b_gcn, bn_gamma, bn_beta,
              Ws1, bs1, Ws2, bs2, Wo0, bo0, Wo1, bo1, Wo2, bo2, Wlast, blast):
    src = solute_edge_index[0]
    dst = solute_edge_index[1]
    # solute GNN: input embedding
    h = jax.nn.relu(solute_x @ W_embed + b_embed)
    for l in range(NUM_LAYER):
        msg = h[src]                                      # gather [E, EMB]
        agg = jax.ops.segment_sum(msg, dst, num_segments=N_NODES)  # scatter-add
        hl = agg @ W_gcn[l] + b_gcn[l]
        mean = jnp.mean(hl, axis=0)
        var = jnp.var(hl, axis=0)
        hl = (hl - mean) / jnp.sqrt(var + 1e-5) * bn_gamma[l] + bn_beta[l]
        if l < NUM_LAYER - 1:
            hl = jax.nn.relu(hl)
        h = hl
    solute_rep = h                                        # JK == 'last'
    # solvent (water) MLP encoder
    solvent_rep = jax.nn.relu(solvent_x @ Ws1 + bs1) @ Ws2 + bs2
    # solute-solvent interaction map, masked by graph membership
    mask = (solute_batch[:, None] == solvent_batch[None, :]).astype(jnp.float32)
    imap = (solute_rep @ solvent_rep.T) * mask
    solute_prime = imap @ solvent_rep
    solvent_prime = imap.T @ solute_rep
    sf = solute_rep + solute_prime
    vf = solvent_rep + solvent_prime

    def pool_mean(x, seg):
        s = jax.ops.segment_sum(x, seg, num_segments=NUM_GRAPHS)
        c = jax.ops.segment_sum(jnp.ones((x.shape[0], 1), dtype=jnp.float32), seg, num_segments=NUM_GRAPHS)
        return s / jnp.clip(c, 1.0)

    final = jnp.concatenate([pool_mean(sf, solute_batch), pool_mean(vf, solvent_batch)], axis=1)
    h1 = jax.nn.relu(final @ Wo0 + bo0)
    h2 = jax.nn.relu(h1 @ Wo1 + bo1)
    h3 = jax.nn.relu(h2 @ Wo2 + bo2)
    return h3 @ Wlast + blast

if __name__ == "__main__":
    import jax
    _d = setup_inputs()
    print(jax.jit(kernel)(*tuple(_d.values())))

</pallas_src>

<mosaic_0001>
#map = affine_map<(d0, d1) -> (0, 0)>
#map1 = affine_map<(d0, d1) -> (0, 0, 0)>
module attributes {stable_mosaic.version = 14 : i64} {
  func.func @_edge_agg_body(%arg0: i32, %arg1: i32, %arg2: memref<10000x64xf32, #tpu.memory_space<hbm>>, %arg3: memref<32x158x128xi32, #tpu.memory_space<hbm>>, %arg4: memref<32x158x128xi32, #tpu.memory_space<hbm>>, %arg5: memref<640x64xf32, #tpu.memory_space<hbm>>, %arg6: memref<20480x64xf32, #tpu.memory_space<hbm>>, %arg7: memref<158x128xi32, #tpu.memory_space<vmem>>, %arg8: memref<158x128xi32, #tpu.memory_space<vmem>>, %arg9: memref<4x128x64xf32, #tpu.memory_space<vmem>>, %arg10: memref<10240x64xf32, #tpu.memory_space<vmem_shared>>, %arg11: memref<4x!tpu.dma_semaphore, #tpu.memory_space<semaphore_mem>>, %arg12: memref<4x!tpu.dma_semaphore, #tpu.memory_space<semaphore_mem>>) attributes {dimension_semantics = [#tpu.dimension_semantics<core_parallel>, #tpu.dimension_semantics<subcore_parallel>], iteration_bounds = array<i64: 2, 16>, scalar_prefetch = 0 : i64, scratch_operands = 6 : i64, tpu.core_type = #tpu.core_type<sc_vector_subcore>, window_params = [{transform_indices = #map}, {transform_indices = #map1}, {transform_indices = #map1}, {transform_indices = #map}, {transform_indices = #map}]} {
    %mul3A = arith.constant 16 : i32
    %mul3A_0 = arith.muli %arg0, %mul3A : i32
    %add3A = arith.addi %mul3A_0, %arg1 : i32
    %mul3A_1 = arith.constant 640 : i32
    %mul3A_2 = arith.muli %arg1, %mul3A_1 : i32
    "tpu.region"() ({
      %run_scoped3A = tpu.sem_alloc : memref<!tpu.dma_semaphore, #tpu.memory_space<semaphore_mem>>
      %dma_start3A_104 = arith.constant 0 : i32
      %dma_start3A_105 = tpu.memref_slice %arg10[%mul3A_2, %dma_start3A_104] : memref<10240x64xf32, #tpu.memory_space<vmem_shared>> -> memref<640x64xf32, #tpu.memory_space<vmem_shared>>
      tpu.enqueue_dma source(%arg5 : memref<640x64xf32, #tpu.memory_space<hbm>>) target(%dma_start3A_105 : memref<640x64xf32, #tpu.memory_space<vmem_shared>>) target_semaphore(%run_scoped3A : memref<!tpu.dma_semaphore, #tpu.memory_space<semaphore_mem>>)
      %dma_wait3A_106 = arith.constant 0 : i32
      %dma_wait3A_107 = tpu.memref_slice %arg10[%mul3A_2, %dma_wait3A_106] : memref<10240x64xf32, #tpu.memory_space<vmem_shared>> -> memref<640x64xf32, #tpu.memory_space<vmem_shared>>
      tpu.wait_dma2 semaphore(%run_scoped3A : memref<!tpu.dma_semaphore, #tpu.memory_space<semaphore_mem>>) src(%arg5 : memref<640x64xf32, #tpu.memory_space<hbm>>) dst(%dma_wait3A_107 : memref<640x64xf32, #tpu.memory_space<vmem_shared>>)
      tpu.yield
    }) : () -> ()
    "tpu.region"() ({
      %run_scoped3A = tpu.sem_alloc : memref<!tpu.dma_semaphore, #tpu.memory_space<semaphore_mem>>
      %dma_start3A_104 = arith.constant 0 : i32
      %dma_start3A_105 = arith.constant 0 : i32
      %dma_start3A_106 = tpu.memref_slice %arg3[%add3A, %dma_start3A_104, %dma_start3A_105] : memref<32x158x128xi32, #tpu.memory_space<hbm>> -> memref<1x158x128xi32, #tpu.memory_space<hbm>>
      %dma_start3A_107 = tpu.memref_squeeze %dma_start3A_106 : memref<1x158x128xi32, #tpu.memory_space<hbm>> -> memref<158x128xi32, #tpu.memory_space<hbm>>
      %dma_start3A_108 = arith.constant 0 : i32
      %dma_start3A_109 = arith.constant 0 : i32
      %dma_start3A_110 = tpu.memref_slice %arg3[%add3A, %dma_start3A_108, %dma_start3A_109] : memref<32x158x128xi32, #tpu.memory_space<hbm>> -> memref<1x158x128xi32, #tpu.memory_space<hbm>>
      %dma_start3A_111 = tpu.memref_squeeze %dma_start3A_110 : memref<1x158x128xi32, #tpu.memory_space<hbm>> -> memref<158x128xi32, #tpu.memory_space<hbm>>
      tpu.enqueue_dma source(%dma_start3A_111 : memref<158x128xi32, #tpu.memory_space<hbm>>) target(%arg7 : memref<158x128xi32, #tpu.memory_space<vmem>>) target_semaphore(%run_scoped3A : memref<!tpu.dma_semaphore, #tpu.memory_space<semaphore_mem>>)
      %dma_wait3A_112 = arith.constant 0 : i32
      %dma_wait3A_113 = arith.constant 0 : i32
      %dma_wait3A_114 = tpu.memref_slice %arg3[%add3A, %dma_wait3A_112, %dma_wait3A_113] : memref<32x158x128xi32, #tpu.memory_space<hbm>> -> memref<1x158x128xi32, #tpu.memory_space<hbm>>
      %dma_wait3A_115 = tpu.memref_squeeze %dma_wait3A_114 : memref<1x158x128xi32, #tpu.memory_space<hbm>> -> memref<158x128xi32, #tpu.memory_space<hbm>>
      %dma_wait3A_116 = arith.constant 0 : i32
      %dma_wait3A_117 = arith.constant 0 : i32
      %dma_wait3A_118 = tpu.memref_slice %arg3[%add3A, %dma_wait3A_116, %dma_wait3A_117] : memref<32x158x128xi32, #tpu.memory_space<hbm>> -> memref<1x158x128xi32, #tpu.memory_space<hbm>>
      %dma_wait3A_119 = tpu.memref_squeeze %dma_wait3A_118 : memref<1x158x128xi32, #tpu.memory_space<hbm>> -> memref<158x128xi32, #tpu.memory_space<hbm>>
      tpu.wait_dma2 semaphore(%run_scoped3A : memref<!tpu.dma_semaphore, #tpu.memory_space<semaphore_mem>>) src(%dma_wait3A_119 : memref<158x128xi32, #tpu.memory_space<hbm>>) dst(%arg7 : memref<158x128xi32, #tpu.memory_space<vmem>>)
      tpu.yield
    }) : () -> ()
    "tpu.region"() ({
      %run_scoped3A = tpu.sem_alloc : memref<!tpu.dma_semaphore, #tpu.memory_space<semaphore_mem>>
      %dma_start3A_104 = arith.constant 0 : i32
      %dma_start3A_105 = arith.constant 0 : i32
      %dma_start3A_106 = tpu.memref_slice %arg4[%add3A, %dma_start3A_104, %dma_start3A_105] : memref<32x158x128xi32, #tpu.memory_space<hbm>> -> memref<1x158x128xi32, #tpu.memory_space<hbm>>
      %dma_start3A_107 = tpu.memref_squeeze %dma_start3A_106 : memref<1x158x128xi32, #tpu.memory_space<hbm>> -> memref<158x128xi32, #tpu.memory_space<hbm>>
      %dma_start3A_108 = arith.constant 0 : i32
      %dma_start3A_109 = arith.constant 0 : i32
      %dma_start3A_110 = tpu.memref_slice %arg4[%add3A, %dma_start3A_108, %dma_start3A_109] : memref<32x158x128xi32, #tpu.memory_space<hbm>> -> memref<1x158x128xi32, #tpu.memory_space<hbm>>
      %dma_start3A_111 = tpu.memref_squeeze %dma_start3A_110 : memref<1x158x128xi32, #tpu.memory_space<hbm>> -> memref<158x128xi32, #tpu.memory_space<hbm>>
      tpu.enqueue_dma source(%dma_start3A_111 : memref<158x128xi32, #tpu.memory_space<hbm>>) target(%arg8 : memref<158x128xi32, #tpu.memory_space<vmem>>) target_semaphore(%run_scoped3A : memref<!tpu.dma_semaphore, #tpu.memory_space<semaphore_mem>>)
      %dma_wait3A_112 = arith.constant 0 : i32
      %dma_wait3A_113 = arith.constant 0 : i32
      %dma_wait3A_114 = tpu.memref_slice %arg4[%add3A, %dma_wait3A_112, %dma_wait3A_113] : memref<32x158x128xi32, #tpu.memory_space<hbm>> -> memref<1x158x128xi32, #tpu.memory_space<hbm>>
      %dma_wait3A_115 = tpu.memref_squeeze %dma_wait3A_114 : memref<1x158x128xi32, #tpu.memory_space<hbm>> -> memref<158x128xi32, #tpu.memory_space<hbm>>
      %dma_wait3A_116 = arith.constant 0 : i32
      %dma_wait3A_117 = arith.constant 0 : i32
      %dma_wait3A_118 = tpu.memref_slice %arg4[%add3A, %dma_wait3A_116, %dma_wait3A_117] : memref<32x158x128xi32, #tpu.memory_space<hbm>> -> memref<1x158x128xi32, #tpu.memory_space<hbm>>
      %dma_wait3A_119 = tpu.memref_squeeze %dma_wait3A_118 : memref<1x158x128xi32, #tpu.memory_space<hbm>> -> memref<158x128xi32, #tpu.memory_space<hbm>>
      tpu.wait_dma2 semaphore(%run_scoped3A : memref<!tpu.dma_semaphore, #tpu.memory_space<semaphore_mem>>) src(%dma_wait3A_119 : memref<158x128xi32, #tpu.memory_space<hbm>>) dst(%arg8 : memref<158x128xi32, #tpu.memory_space<vmem>>)
      tpu.yield
    }) : () -> ()
    %barrier3A = arith.constant 0 : index
    tpu.barrier barrier_id(%barrier3A)
    %dma_start3A = arith.constant 0 : i32
    %dma_start3A_3 = arith.constant 0 : i32
    %dma_start3A_4 = arith.constant 0 : i32
    %dma_start3A_5 = arith.constant 0 : i32
    %dma_start3A_6 = arith.constant 0 : i32
    %dma_start3A_7 = tpu.memref_slice %arg9[%dma_start3A_3, %dma_start3A_5, %dma_start3A_6] : memref<4x128x64xf32, #tpu.memory_space<vmem>> -> memref<1x128x64xf32, #tpu.memory_space<vmem>>
    %dma_start3A_8 = tpu.memref_squeeze %dma_start3A_7 : memref<1x128x64xf32, #tpu.memory_space<vmem>> -> memref<128x64xf32, #tpu.memory_space<vmem>>
    %dma_start3A_9 = arith.constant 0 : i32
    %dma_start3A_10 = tpu.memref_slice %arg7[%dma_start3A, %dma_start3A_9] : memref<158x128xi32, #tpu.memory_space<vmem>> -> memref<1x128xi32, #tpu.memory_space<vmem>>
    %dma_start3A_11 = tpu.memref_squeeze %dma_start3A_10 : memref<1x128xi32, #tpu.memory_space<vmem>> -> memref<128xi32, #tpu.memory_space<vmem>>
    %dma_start3A_12 = arith.constant 0 : i32
    %dma_start3A_13 = arith.constant 0 : i32
    %dma_start3A_14 = tpu.memref_slice %arg2[%dma_start3A_12, %dma_start3A_13] : memref<10000x64xf32, #tpu.memory_space<hbm>> -> memref<10000x64xf32, #tpu.memory_space<hbm>>
    %dma_start3A_15 = tpu.memref_slice %arg11[%dma_start3A_4] : memref<4x!tpu.dma_semaphore, #tpu.memory_space<semaphore_mem>> -> memref<1x!tpu.dma_semaphore, #tpu.memory_space<semaphore_mem>>
    %dma_start3A_16 = tpu.memref_squeeze %dma_start3A_15 : memref<1x!tpu.dma_semaphore, #tpu.memory_space<semaphore_mem>> -> memref<!tpu.dma_semaphore, #tpu.memory_space<semaphore_mem>>
    tpu.enqueue_indirect_dma source(%dma_start3A_14 : memref<10000x64xf32, #tpu.memory_space<hbm>>) target(%dma_start3A_8 : memref<128x64xf32, #tpu.memory_space<vmem>>) offsets(%dma_start3A_11 : memref<128xi32, #tpu.memory_space<vmem>>) semaphore(%dma_start3A_16 : memref<!tpu.dma_semaphore, #tpu.memory_space<semaphore_mem>>)
    %dma_start3A_17 = arith.constant 1 : i32
    %dma_start3A_18 = arith.constant 1 : i32
    %dma_start3A_19 = arith.constant 1 : i32
    %dma_start3A_20 = arith.constant 0 : i32
    %dma_start3A_21 = arith.constant 0 : i32
    %dma_start3A_22 = tpu.memref_slice %arg9[%dma_start3A_18, %dma_start3A_20, %dma_start3A_21] : memref<4x128x64xf32, #tpu.memory_space<vmem>> -> memref<1x128x64xf32, #tpu.memory_space<vmem>>
    %dma_start3A_23 = tpu.memref_squeeze %dma_start3A_22 : memref<1x128x64xf32, #tpu.memory_space<vmem>> -> memref<128x64xf32, #tpu.memory_space<vmem>>
    %dma_start3A_24 = arith.constant 0 : i32
    %dma_start3A_25 = tpu.memref_slice %arg7[%dma_start3A_17, %dma_start3A_24] : memref<158x128xi32, #tpu.memory_space<vmem>> -> memref<1x128xi32, #tpu.memory_space<vmem>>
    %dma_start3A_26 = tpu.memref_squeeze %dma_start3A_25 : memref<1x128xi32, #tpu.memory_space<vmem>> -> memref<128xi32, #tpu.memory_space<vmem>>
    %dma_start3A_27 = arith.constant 0 : i32
    %dma_start3A_28 = arith.constant 0 : i32
    %dma_start3A_29 = tpu.memref_slice %arg2[%dma_start3A_27, %dma_start3A_28] : memref<10000x64xf32, #tpu.memory_space<hbm>> -> memref<10000x64xf32, #tpu.memory_space<hbm>>
    %dma_start3A_30 = tpu.memref_slice %arg11[%dma_start3A_19] : memref<4x!tpu.dma_semaphore, #tpu.memory_space<semaphore_mem>> -> memref<1x!tpu.dma_semaphore, #tpu.memory_space<semaphore_mem>>
    %dma_start3A_31 = tpu.memref_squeeze %dma_start3A_30 : memref<1x!tpu.dma_semaphore, #tpu.memory_space<semaphore_mem>> -> memref<!tpu.dma_semaphore, #tpu.memory_space<semaphore_mem>>
    tpu.enqueue_indirect_dma source(%dma_start3A_29 : memref<10000x64xf32, #tpu.memory_space<hbm>>) target(%dma_start3A_23 : memref<128x64xf32, #tpu.memory_space<vmem>>) offsets(%dma_start3A_26 : memref<128xi32, #tpu.memory_space<vmem>>) semaphore(%dma_start3A_31 : memref<!tpu.dma_semaphore, #tpu.memory_space<semaphore_mem>>)
    %scan3A = arith.constant 0 : i32
    %scan3A_32 = arith.constant 0 : i32
    %scan3A_33 = arith.constant 158 : i32
    %scan3A_34 = arith.addi %scan3A_32, %scan3A_33 : i32
    %scan3A_35 = arith.constant 1 : i32
    scf.for %scan3A_104 = %scan3A_32 to %scan3A_34 step %scan3A_35  : i32 {
      %rem3A = arith.constant 4 : i32
      %rem3A_105 = arith.remsi %scan3A_104, %rem3A : i32
      %dma_wait3A_106 = arith.constant 0 : i32
      %dma_wait3A_107 = arith.constant 0 : i32
      %dma_wait3A_108 = tpu.memref_slice %arg9[%rem3A_105, %dma_wait3A_106, %dma_wait3A_107] : memref<4x128x64xf32, #tpu.memory_space<vmem>> -> memref<1x128x64xf32, #tpu.memory_space<vmem>>
      %dma_wait3A_109 = tpu.memref_squeeze %dma_wait3A_108 : memref<1x128x64xf32, #tpu.memory_space<vmem>> -> memref<128x64xf32, #tpu.memory_space<vmem>>
      %dma_wait3A_110 = arith.constant 0 : i32
      %dma_wait3A_111 = tpu.memref_slice %arg7[%scan3A_104, %dma_wait3A_110] : memref<158x128xi32, #tpu.memory_space<vmem>> -> memref<1x128xi32, #tpu.memory_space<vmem>>
      %dma_wait3A_112 = tpu.memref_squeeze %dma_wait3A_111 : memref<1x128xi32, #tpu.memory_space<vmem>> -> memref<128xi32, #tpu.memory_space<vmem>>
      %dma_wait3A_113 = arith.constant 0 : i32
      %dma_wait3A_114 = arith.constant 0 : i32
      %dma_wait3A_115 = tpu.memref_slice %arg2[%dma_wait3A_113, %dma_wait3A_114] : memref<10000x64xf32, #tpu.memory_space<hbm>> -> memref<10000x64xf32, #tpu.memory_space<hbm>>
      %dma_wait3A_116 = tpu.memref_slice %arg11[%rem3A_105] : memref<4x!tpu.dma_semaphore, #tpu.memory_space<semaphore_mem>> -> memref<1x!tpu.dma_semaphore, #tpu.memory_space<semaphore_mem>>
      %dma_wait3A_117 = tpu.memref_squeeze %dma_wait3A_116 : memref<1x!tpu.dma_semaphore, #tpu.memory_space<semaphore_mem>> -> memref<!tpu.dma_semaphore, #tpu.memory_space<semaphore_mem>>
      tpu.wait_indirect_dma semaphore(%dma_wait3A_117 : memref<!tpu.dma_semaphore, #tpu.memory_space<semaphore_mem>>) src(%dma_wait3A_115 : memref<10000x64xf32, #tpu.memory_space<hbm>>) dst(%dma_wait3A_109 : memref<128x64xf32, #tpu.memory_space<vmem>>)
      %dma_start3A_118 = arith.constant 0 : i32
      %dma_start3A_119 = arith.constant 0 : i32
      %dma_start3A_120 = tpu.memref_slice %arg9[%rem3A_105, %dma_start3A_118, %dma_start3A_119] : memref<4x128x64xf32, #tpu.memory_space<vmem>> -> memref<1x128x64xf32, #tpu.memory_space<vmem>>
      %dma_start3A_121 = tpu.memref_squeeze %dma_start3A_120 : memref<1x128x64xf32, #tpu.memory_space<vmem>> -> memref<128x64xf32, #tpu.memory_space<vmem>>
      %dma_start3A_122 = arith.constant 0 : i32
      %dma_start3A_123 = tpu.memref_slice %arg8[%scan3A_104, %dma_start3A_122] : memref<158x128xi32, #tpu.memory_space<vmem>> -> memref<1x128xi32, #tpu.memory_space<vmem>>
      %dma_start3A_124 = tpu.memref_squeeze %dma_start3A_123 : memref<1x128xi32, #tpu.memory_space<vmem>> -> memref<128xi32, #tpu.memory_space<vmem>>
      %dma_start3A_125 = arith.constant 0 : i32
      %dma_start3A_126 = arith.constant 0 : i32
      %dma_start3A_127 = tpu.memref_slice %arg10[%dma_start3A_125, %dma_start3A_126] : memref<10240x64xf32, #tpu.memory_space<vmem_shared>> -> memref<10240x64xf32, #tpu.memory_space<vmem_shared>>
      %dma_start3A_128 = tpu.memref_slice %arg12[%rem3A_105] : memref<4x!tpu.dma_semaphore, #tpu.memory_space<semaphore_mem>> -> memref<1x!tpu.dma_semaphore, #tpu.memory_space<semaphore_mem>>
      %dma_start3A_129 = tpu.memref_squeeze %dma_start3A_128 : memref<1x!tpu.dma_semaphore, #tpu.memory_space<semaphore_mem>> -> memref<!tpu.dma_semaphore, #tpu.memory_space<semaphore_mem>>
      tpu.enqueue_indirect_dma source(%dma_start3A_121 : memref<128x64xf32, #tpu.memory_space<vmem>>) target(%dma_start3A_127 : memref<10240x64xf32, #tpu.memory_space<vmem_shared>>) offsets(%dma_start3A_124 : memref<128xi32, #tpu.memory_space<vmem>>) semaphore(%dma_start3A_129 : memref<!tpu.dma_semaphore, #tpu.memory_space<semaphore_mem>>) {add = true}
      %add3A_130 = arith.constant 2 : i32
      %add3A_131 = arith.addi %scan3A_104, %add3A_130 : i32
      %rem3A_132 = arith.constant 4 : i32
      %rem3A_133 = arith.remsi %add3A_131, %rem3A_132 : i32
      %ge3A = arith.constant 2 : i32
      %ge3A_134 = arith.cmpi sge, %scan3A_104, %ge3A : i32
      %add3A_135 = arith.constant 2 : i32
      %add3A_136 = arith.addi %scan3A_104, %add3A_135 : i32
      %lt3A = arith.constant 158 : i32
      %lt3A_137 = arith.cmpi slt, %add3A_136, %lt3A : i32
      %and3A = arith.andi %ge3A_134, %lt3A_137 : i1
      %convert_element_type3A = arith.extui %and3A : i1 to i32
      %cond3A = arith.constant 0 : i32
      %cond3A_138 = arith.cmpi ne, %convert_element_type3A, %cond3A : i32
      scf.if %cond3A_138 {
        %sub3A = arith.constant 2 : i32
        %sub3A_146 = arith.subi %scan3A_104, %sub3A : i32
        %dma_wait3A_147 = arith.constant 0 : i32
        %dma_wait3A_148 = arith.constant 0 : i32
        %dma_wait3A_149 = tpu.memref_slice %arg9[%rem3A_133, %dma_wait3A_147, %dma_wait3A_148] : memref<4x128x64xf32, #tpu.memory_space<vmem>> -> memref<1x128x64xf32, #tpu.memory_space<vmem>>
        %dma_wait3A_150 = tpu.memref_squeeze %dma_wait3A_149 : memref<1x128x64xf32, #tpu.memory_space<vmem>> -> memref<128x64xf32, #tpu.memory_space<vmem>>
        %dma_wait3A_151 = arith.constant 0 : i32
        %dma_wait3A_152 = tpu.memref_slice %arg8[%sub3A_146, %dma_wait3A_151] : memref<158x128xi32, #tpu.memory_space<vmem>> -> memref<1x128xi32, #tpu.memory_space<vmem>>
        %dma_wait3A_153 = tpu.memref_squeeze %dma_wait3A_152 : memref<1x128xi32, #tpu.memory_space<vmem>> -> memref<128xi32, #tpu.memory_space<vmem>>
        %dma_wait3A_154 = arith.constant 0 : i32
        %dma_wait3A_155 = arith.constant 0 : i32
        %dma_wait3A_156 = tpu.memref_slice %arg10[%dma_wait3A_154, %dma_wait3A_155] : memref<10240x64xf32, #tpu.memory_space<vmem_shared>> -> memref<10240x64xf32, #tpu.memory_space<vmem_shared>>
        %dma_wait3A_157 = tpu.memref_slice %arg12[%rem3A_133] : memref<4x!tpu.dma_semaphore, #tpu.memory_space<semaphore_mem>> -> memref<1x!tpu.dma_semaphore, #tpu.memory_space<semaphore_mem>>
        %dma_wait3A_158 = tpu.memref_squeeze %dma_wait3A_157 : memref<1x!tpu.dma_semaphore, #tpu.memory_space<semaphore_mem>> -> memref<!tpu.dma_semaphore, #tpu.memory_space<semaphore_mem>>
        tpu.wait_indirect_dma semaphore(%dma_wait3A_158 : memref<!tpu.dma_semaphore, #tpu.memory_space<semaphore_mem>>) src(%dma_wait3A_150 : memref<128x64xf32, #tpu.memory_space<vmem>>) dst(%dma_wait3A_156 : memref<10240x64xf32, #tpu.memory_space<vmem_shared>>)
      } else {
      }
      %add3A_139 = arith.constant 2 : i32
      %add3A_140 = arith.addi %scan3A_104, %add3A_139 : i32
      %lt3A_141 = arith.constant 158 : i32
      %lt3A_142 = arith.cmpi slt, %add3A_140, %lt3A_141 : i32
      %convert_element_type3A_143 = arith.extui %lt3A_142 : i1 to i32
      %cond3A_144 = arith.constant 0 : i32
      %cond3A_145 = arith.cmpi ne, %convert_element_type3A_143, %cond3A_144 : i32
      scf.if %cond3A_145 {
        %add3A_146 = arith.constant 2 : i32
        %add3A_147 = arith.addi %scan3A_104, %add3A_146 : i32
        %dma_start3A_148 = arith.constant 0 : i32
        %dma_start3A_149 = arith.constant 0 : i32
        %dma_start3A_150 = tpu.memref_slice %arg9[%rem3A_133, %dma_start3A_148, %dma_start3A_149] : memref<4x128x64xf32, #tpu.memory_space<vmem>> -> memref<1x128x64xf32, #tpu.memory_space<vmem>>
        %dma_start3A_151 = tpu.memref_squeeze %dma_start3A_150 : memref<1x128x64xf32, #tpu.memory_space<vmem>> -> memref<128x64xf32, #tpu.memory_space<vmem>>
        %dma_start3A_152 = arith.constant 0 : i32
        %dma_start3A_153 = tpu.memref_slice %arg7[%add3A_147, %dma_start3A_152] : memref<158x128xi32, #tpu.memory_space<vmem>> -> memref<1x128xi32, #tpu.memory_space<vmem>>
        %dma_start3A_154 = tpu.memref_squeeze %dma_start3A_153 : memref<1x128xi32, #tpu.memory_space<vmem>> -> memref<128xi32, #tpu.memory_space<vmem>>
        %dma_start3A_155 = arith.constant 0 : i32
        %dma_start3A_156 = arith.constant 0 : i32
        %dma_start3A_157 = tpu.memref_slice %arg2[%dma_start3A_155, %dma_start3A_156] : memref<10000x64xf32, #tpu.memory_space<hbm>> -> memref<10000x64xf32, #tpu.memory_space<hbm>>
        %dma_start3A_158 = tpu.memref_slice %arg11[%rem3A_133] : memref<4x!tpu.dma_semaphore, #tpu.memory_space<semaphore_mem>> -> memref<1x!tpu.dma_semaphore, #tpu.memory_space<semaphore_mem>>
        %dma_start3A_159 = tpu.memref_squeeze %dma_start3A_158 : memref<1x!tpu.dma_semaphore, #tpu.memory_space<semaphore_mem>> -> memref<!tpu.dma_semaphore, #tpu.memory_space<semaphore_mem>>
        tpu.enqueue_indirect_dma source(%dma_start3A_157 : memref<10000x64xf32, #tpu.memory_space<hbm>>) target(%dma_start3A_151 : memref<128x64xf32, #tpu.memory_space<vmem>>) offsets(%dma_start3A_154 : memref<128xi32, #tpu.memory_space<vmem>>) semaphore(%dma_start3A_159 : memref<!tpu.dma_semaphore, #tpu.memory_space<semaphore_mem>>)
      } else {
      }
    }
    %scan3A_36 = arith.constant 158 : i32
    %dma_wait3A = arith.constant 2 : i32
    %dma_wait3A_37 = arith.constant 154 : i32
    %dma_wait3A_38 = arith.constant 2 : i32
    %dma_wait3A_39 = arith.constant 0 : i32
    %dma_wait3A_40 = arith.constant 0 : i32
    %dma_wait3A_41 = tpu.memref_slice %arg9[%dma_wait3A, %dma_wait3A_39, %dma_wait3A_40] : memref<4x128x64xf32, #tpu.memory_space<vmem>> -> memref<1x128x64xf32, #tpu.memory_space<vmem>>
    %dma_wait3A_42 = tpu.memref_squeeze %dma_wait3A_41 : memref<1x128x64xf32, #tpu.memory_space<vmem>> -> memref<128x64xf32, #tpu.memory_space<vmem>>
    %dma_wait3A_43 = arith.constant 0 : i32
    %dma_wait3A_44 = tpu.memref_slice %arg8[%dma_wait3A_37, %dma_wait3A_43] : memref<158x128xi32, #tpu.memory_space<vmem>> -> memref<1x128xi32, #tpu.memory_space<vmem>>
    %dma_wait3A_45 = tpu.memref_squeeze %dma_wait3A_44 : memref<1x128xi32, #tpu.memory_space<vmem>> -> memref<128xi32, #tpu.memory_space<vmem>>
    %dma_wait3A_46 = arith.constant 0 : i32
    %dma_wait3A_47 = arith.constant 0 : i32
    %dma_wait3A_48 = tpu.memref_slice %arg10[%dma_wait3A_46, %dma_wait3A_47] : memref<10240x64xf32, #tpu.memory_space<vmem_shared>> -> memref<10240x64xf32, #tpu.memory_space<vmem_shared>>
    %dma_wait3A_49 = tpu.memref_slice %arg12[%dma_wait3A_38] : memref<4x!tpu.dma_semaphore, #tpu.memory_space<semaphore_mem>> -> memref<1x!tpu.dma_semaphore, #tpu.memory_space<semaphore_mem>>
    %dma_wait3A_50 = tpu.memref_squeeze %dma_wait3A_49 : memref<1x!tpu.dma_semaphore, #tpu.memory_space<semaphore_mem>> -> memref<!tpu.dma_semaphore, #tpu.memory_space<semaphore_mem>>
    tpu.wait_indirect_dma semaphore(%dma_wait3A_50 : memref<!tpu.dma_semaphore, #tpu.memory_space<semaphore_mem>>) src(%dma_wait3A_42 : memref<128x64xf32, #tpu.memory_space<vmem>>) dst(%dma_wait3A_48 : memref<10240x64xf32, #tpu.memory_space<vmem_shared>>)
    %dma_wait3A_51 = arith.constant 3 : i32
    %dma_wait3A_52 = arith.constant 155 : i32
    %dma_wait3A_53 = arith.constant 3 : i32
    %dma_wait3A_54 = arith.constant 0 : i32
    %dma_wait3A_55 = arith.constant 0 : i32
    %dma_wait3A_56 = tpu.memref_slice %arg9[%dma_wait3A_51, %dma_wait3A_54, %dma_wait3A_55] : memref<4x128x64xf32, #tpu.memory_space<vmem>> -> memref<1x128x64xf32, #tpu.memory_space<vmem>>
    %dma_wait3A_57 = tpu.memref_squeeze %dma_wait3A_56 : memref<1x128x64xf32, #tpu.memory_space<vmem>> -> memref<128x64xf32, #tpu.memory_space<vmem>>
    %dma_wait3A_58 = arith.constant 0 : i32
    %dma_wait3A_59 = tpu.memref_slice %arg8[%dma_wait3A_52, %dma_wait3A_58] : memref<158x128xi32, #tpu.memory_space<vmem>> -> memref<1x128xi32, #tpu.memory_space<vmem>>
    %dma_wait3A_60 = tpu.memref_squeeze %dma_wait3A_59 : memref<1x128xi32, #tpu.memory_space<vmem>> -> memref<128xi32, #tpu.memory_space<vmem>>
    %dma_wait3A_61 = arith.constant 0 : i32
    %dma_wait3A_62 = arith.constant 0 : i32
    %dma_wait3A_63 = tpu.memref_slice %arg10[%dma_wait3A_61, %dma_wait3A_62] : memref<10240x64xf32, #tpu.memory_space<vmem_shared>> -> memref<10240x64xf32, #tpu.memory_space<vmem_shared>>
    %dma_wait3A_64 = tpu.memref_slice %arg12[%dma_wait3A_53] : memref<4x!tpu.dma_semaphore, #tpu.memory_space<semaphore_mem>> -> memref<1x!tpu.dma_semaphore, #tpu.memory_space<semaphore_mem>>
    %dma_wait3A_65 = tpu.memref_squeeze %dma_wait3A_64 : memref<1x!tpu.dma_semaphore, #tpu.memory_space<semaphore_mem>> -> memref<!tpu.dma_semaphore, #tpu.memory_space<semaphore_mem>>
    tpu.wait_indirect_dma semaphore(%dma_wait3A_65 : memref<!tpu.dma_semaphore, #tpu.memory_space<semaphore_mem>>) src(%dma_wait3A_57 : memref<128x64xf32, #tpu.memory_space<vmem>>) dst(%dma_wait3A_63 : memref<10240x64xf32, #tpu.memory_space<vmem_shared>>)
    %dma_wait3A_66 = arith.constant 0 : i32
    %dma_wait3A_67 = arith.constant 156 : i32
    %dma_wait3A_68 = arith.constant 0 : i32
    %dma_wait3A_69 = arith.constant 0 : i32
    %dma_wait3A_70 = arith.constant 0 : i32
    %dma_wait3A_71 = tpu.memref_slice %arg9[%dma_wait3A_66, %dma_wait3A_69, %dma_wait3A_70] : memref<4x128x64xf32, #tpu.memory_space<vmem>> -> memref<1x128x64xf32, #tpu.memory_space<vmem>>
    %dma_wait3A_72 = tpu.memref_squeeze %dma_wait3A_71 : memref<1x128x64xf32, #tpu.memory_space<vmem>> -> memref<128x64xf32, #tpu.memory_space<vmem>>
    %dma_wait3A_73 = arith.constant 0 : i32
    %dma_wait3A_74 = tpu.memref_slice %arg8[%dma_wait3A_67, %dma_wait3A_73] : memref<158x128xi32, #tpu.memory_space<vmem>> -> memref<1x128xi32, #tpu.memory_space<vmem>>
    %dma_wait3A_75 = tpu.memref_squeeze %dma_wait3A_74 : memref<1x128xi32, #tpu.memory_space<vmem>> -> memref<128xi32, #tpu.memory_space<vmem>>
    %dma_wait3A_76 = arith.constant 0 : i32
    %dma_wait3A_77 = arith.constant 0 : i32
    %dma_wait3A_78 = tpu.memref_slice %arg10[%dma_wait3A_76, %dma_wait3A_77] : memref<10240x64xf32, #tpu.memory_space<vmem_shared>> -> memref<10240x64xf32, #tpu.memory_space<vmem_shared>>
    %dma_wait3A_79 = tpu.memref_slice %arg12[%dma_wait3A_68] : memref<4x!tpu.dma_semaphore, #tpu.memory_space<semaphore_mem>> -> memref<1x!tpu.dma_semaphore, #tpu.memory_space<semaphore_mem>>
    %dma_wait3A_80 = tpu.memref_squeeze %dma_wait3A_79 : memref<1x!tpu.dma_semaphore, #tpu.memory_space<semaphore_mem>> -> memref<!tpu.dma_semaphore, #tpu.memory_space<semaphore_mem>>
    tpu.wait_indirect_dma semaphore(%dma_wait3A_80 : memref<!tpu.dma_semaphore, #tpu.memory_space<semaphore_mem>>) src(%dma_wait3A_72 : memref<128x64xf32, #tpu.memory_space<vmem>>) dst(%dma_wait3A_78 : memref<10240x64xf32, #tpu.memory_space<vmem_shared>>)
    %dma_wait3A_81 = arith.constant 1 : i32
    %dma_wait3A_82 = arith.constant 157 : i32
    %dma_wait3A_83 = arith.constant 1 : i32
    %dma_wait3A_84 = arith.constant 0 : i32
    %dma_wait3A_85 = arith.constant 0 : i32
    %dma_wait3A_86 = tpu.memref_slice %arg9[%dma_wait3A_81, %dma_wait3A_84, %dma_wait3A_85] : memref<4x128x64xf32, #tpu.memory_space<vmem>> -> memref<1x128x64xf32, #tpu.memory_space<vmem>>
    %dma_wait3A_87 = tpu.memref_squeeze %dma_wait3A_86 : memref<1x128x64xf32, #tpu.memory_space<vmem>> -> memref<128x64xf32, #tpu.memory_space<vmem>>
    %dma_wait3A_88 = arith.constant 0 : i32
    %dma_wait3A_89 = tpu.memref_slice %arg8[%dma_wait3A_82, %dma_wait3A_88] : memref<158x128xi32, #tpu.memory_space<vmem>> -> memref<1x128xi32, #tpu.memory_space<vmem>>
    %dma_wait3A_90 = tpu.memref_squeeze %dma_wait3A_89 : memref<1x128xi32, #tpu.memory_space<vmem>> -> memref<128xi32, #tpu.memory_space<vmem>>
    %dma_wait3A_91 = arith.constant 0 : i32
    %dma_wait3A_92 = arith.constant 0 : i32
    %dma_wait3A_93 = tpu.memref_slice %arg10[%dma_wait3A_91, %dma_wait3A_92] : memref<10240x64xf32, #tpu.memory_space<vmem_shared>> -> memref<10240x64xf32, #tpu.memory_space<vmem_shared>>
    %dma_wait3A_94 = tpu.memref_slice %arg12[%dma_wait3A_83] : memref<4x!tpu.dma_semaphore, #tpu.memory_space<semaphore_mem>> -> memref<1x!tpu.dma_semaphore, #tpu.memory_space<semaphore_mem>>
    %dma_wait3A_95 = tpu.memref_squeeze %dma_wait3A_94 : memref<1x!tpu.dma_semaphore, #tpu.memory_space<semaphore_mem>> -> memref<!tpu.dma_semaphore, #tpu.memory_space<semaphore_mem>>
    tpu.wait_indirect_dma semaphore(%dma_wait3A_95 : memref<!tpu.dma_semaphore, #tpu.memory_space<semaphore_mem>>) src(%dma_wait3A_87 : memref<128x64xf32, #tpu.memory_space<vmem>>) dst(%dma_wait3A_93 : memref<10240x64xf32, #tpu.memory_space<vmem_shared>>)
    %barrier3A_96 = arith.constant 0 : index
    tpu.barrier barrier_id(%barrier3A_96)
    %mul3A_97 = arith.constant 10240 : i32
    %mul3A_98 = arith.muli %arg0, %mul3A_97 : i32
    %mul3A_99 = arith.constant 640 : i32
    %mul3A_100 = arith.muli %arg1, %mul3A_99 : i32
    %add3A_101 = arith.addi %mul3A_98, %mul3A_100 : i32
    %mul3A_102 = arith.constant 640 : i32
    %mul3A_103 = arith.muli %arg1, %mul3A_102 : i32
    "tpu.region"() ({
      %run_scoped3A = tpu.sem_alloc : memref<!tpu.dma_semaphore, #tpu.memory_space<semaphore_mem>>
      %dma_start3A_104 = arith.constant 0 : i32
      %dma_start3A_105 = tpu.memref_slice %arg6[%add3A_101, %dma_start3A_104] : memref<20480x64xf32, #tpu.memory_space<hbm>> -> memref<640x64xf32, #tpu.memory_space<hbm>>
      %dma_start3A_106 = arith.constant 0 : i32
      %dma_start3A_107 = tpu.memref_slice %arg10[%mul3A_103, %dma_start3A_106] : memref<10240x64xf32, #tpu.memory_space<vmem_shared>> -> memref<640x64xf32, #tpu.memory_space<vmem_shared>>
      tpu.enqueue_dma source(%dma_start3A_107 : memref<640x64xf32, #tpu.memory_space<vmem_shared>>) target(%dma_start3A_105 : memref<640x64xf32, #tpu.memory_space<hbm>>) target_semaphore(%run_scoped3A : memref<!tpu.dma_semaphore, #tpu.memory_space<semaphore_mem>>)
      %dma_wait3A_108 = arith.constant 0 : i32
      %dma_wait3A_109 = tpu.memref_slice %arg6[%add3A_101, %dma_wait3A_108] : memref<20480x64xf32, #tpu.memory_space<hbm>> -> memref<640x64xf32, #tpu.memory_space<hbm>>
      %dma_wait3A_110 = arith.constant 0 : i32
      %dma_wait3A_111 = tpu.memref_slice %arg10[%mul3A_103, %dma_wait3A_110] : memref<10240x64xf32, #tpu.memory_space<vmem_shared>> -> memref<640x64xf32, #tpu.memory_space<vmem_shared>>
      tpu.wait_dma2 semaphore(%run_scoped3A : memref<!tpu.dma_semaphore, #tpu.memory_space<semaphore_mem>>) src(%dma_wait3A_111 : memref<640x64xf32, #tpu.memory_space<vmem_shared>>) dst(%dma_wait3A_109 : memref<640x64xf32, #tpu.memory_space<hbm>>)
      tpu.yield
    }) : () -> ()
    return
  }
}

#map = affine_map<(d0, d1) -> (0, 0)>
#map1 = affine_map<(d0, d1) -> (0, 0, 0)>
module attributes {stable_mosaic.version = 14 : i64} {
  func.func @_edge_agg_body(%arg0: i32, %arg1: i32, %arg2: memref<10000x64xf32, #tpu.memory_space<hbm>>, %arg3: memref<32x158x128xi32, #tpu.memory_space<hbm>>, %arg4: memref<32x158x128xi32, #tpu.memory_space<hbm>>, %arg5: memref<640x64xf32, #tpu.memory_space<hbm>>, %arg6: memref<20480x64xf32, #tpu.memory_space<hbm>>, %arg7: memref<158x128xi32, #tpu.memory_space<vmem>>, %arg8: memref<158x128xi32, #tpu.memory_space<vmem>>, %arg9: memref<4x128x64xf32, #tpu.memory_space<vmem>>, %arg10: memref<10240x64xf32, #tpu.memory_space<vmem_shared>>, %arg11: memref<4x!tpu.dma_semaphore, #tpu.memory_space<semaphore_mem>>, %arg12: memref<4x!tpu.dma_semaphore, #tpu.memory_space<semaphore_mem>>) attributes {dimension_semantics = [#tpu.dimension_semantics<core_parallel>, #tpu.dimension_semantics<subcore_parallel>], iteration_bounds = array<i64: 2, 16>, scalar_prefetch = 0 : i64, scratch_operands = 6 : i64, tpu.core_type = #tpu.core_type<sc_vector_subcore>, window_params = [{transform_indices = #map}, {transform_indices = #map1}, {transform_indices = #map1}, {transform_indices = #map}, {transform_indices = #map}]} {
    %mul3A = arith.constant 16 : i32
    %mul3A_0 = arith.muli %arg0, %mul3A : i32
    %add3A = arith.addi %mul3A_0, %arg1 : i32
    %mul3A_1 = arith.constant 640 : i32
    %mul3A_2 = arith.muli %arg1, %mul3A_1 : i32
    "tpu.region"() ({
      %run_scoped3A = tpu.sem_alloc : memref<!tpu.dma_semaphore, #tpu.memory_space<semaphore_mem>>
      %dma_start3A_104 = arith.constant 0 : i32
      %dma_start3A_105 = tpu.memref_slice %arg10[%mul3A_2, %dma_start3A_104] : memref<10240x64xf32, #tpu.memory_space<vmem_shared>> -> memref<640x64xf32, #tpu.memory_space<vmem_shared>>
      tpu.enqueue_dma source(%arg5 : memref<640x64xf32, #tpu.memory_space<hbm>>) target(%dma_start3A_105 : memref<640x64xf32, #tpu.memory_space<vmem_shared>>) target_semaphore(%run_scoped3A : memref<!tpu.dma_semaphore, #tpu.memory_space<semaphore_mem>>)
      %dma_wait3A_106 = arith.constant 0 : i32
      %dma_wait3A_107 = tpu.memref_slice %arg10[%mul3A_2, %dma_wait3A_106] : memref<10240x64xf32, #tpu.memory_space<vmem_shared>> -> memref<640x64xf32, #tpu.memory_space<vmem_shared>>
      tpu.wait_dma2 semaphore(%run_scoped3A : memref<!tpu.dma_semaphore, #tpu.memory_space<semaphore_mem>>) src(%arg5 : memref<640x64xf32, #tpu.memory_space<hbm>>) dst(%dma_wait3A_107 : memref<640x64xf32, #tpu.memory_space<vmem_shared>>)
      tpu.yield
    }) : () -> ()
    "tpu.region"() ({
      %run_scoped3A = tpu.sem_alloc : memref<!tpu.dma_semaphore, #tpu.memory_space<semaphore_mem>>
      %dma_start3A_104 = arith.constant 0 : i32
      %dma_start3A_105 = arith.constant 0 : i32
      %dma_start3A_106 = tpu.memref_slice %arg3[%add3A, %dma_start3A_104, %dma_start3A_105] : memref<32x158x128xi32, #tpu.memory_space<hbm>> -> memref<1x158x128xi32, #tpu.memory_space<hbm>>
      %dma_start3A_107 = tpu.memref_squeeze %dma_start3A_106 : memref<1x158x128xi32, #tpu.memory_space<hbm>> -> memref<158x128xi32, #tpu.memory_space<hbm>>
      %dma_start3A_108 = arith.constant 0 : i32
      %dma_start3A_109 = arith.constant 0 : i32
      %dma_start3A_110 = tpu.memref_slice %arg3[%add3A, %dma_start3A_108, %dma_start3A_109] : memref<32x158x128xi32, #tpu.memory_space<hbm>> -> memref<1x158x128xi32, #tpu.memory_space<hbm>>
      %dma_start3A_111 = tpu.memref_squeeze %dma_start3A_110 : memref<1x158x128xi32, #tpu.memory_space<hbm>> -> memref<158x128xi32, #tpu.memory_space<hbm>>
      tpu.enqueue_dma source(%dma_start3A_111 : memref<158x128xi32, #tpu.memory_space<hbm>>) target(%arg7 : memref<158x128xi32, #tpu.memory_space<vmem>>) target_semaphore(%run_scoped3A : memref<!tpu.dma_semaphore, #tpu.memory_space<semaphore_mem>>)
      %dma_wait3A_112 = arith.constant 0 : i32
      %dma_wait3A_113 = arith.constant 0 : i32
      %dma_wait3A_114 = tpu.memref_slice %arg3[%add3A, %dma_wait3A_112, %dma_wait3A_113] : memref<32x158x128xi32, #tpu.memory_space<hbm>> -> memref<1x158x128xi32, #tpu.memory_space<hbm>>
      %dma_wait3A_115 = tpu.memref_squeeze %dma_wait3A_114 : memref<1x158x128xi32, #tpu.memory_space<hbm>> -> memref<158x128xi32, #tpu.memory_space<hbm>>
      %dma_wait3A_116 = arith.constant 0 : i32
      %dma_wait3A_117 = arith.constant 0 : i32
      %dma_wait3A_118 = tpu.memref_slice %arg3[%add3A, %dma_wait3A_116, %dma_wait3A_117] : memref<32x158x128xi32, #tpu.memory_space<hbm>> -> memref<1x158x128xi32, #tpu.memory_space<hbm>>
      %dma_wait3A_119 = tpu.memref_squeeze %dma_wait3A_118 : memref<1x158x128xi32, #tpu.memory_space<hbm>> -> memref<158x128xi32, #tpu.memory_space<hbm>>
      tpu.wait_dma2 semaphore(%run_scoped3A : memref<!tpu.dma_semaphore, #tpu.memory_space<semaphore_mem>>) src(%dma_wait3A_119 : memref<158x128xi32, #tpu.memory_space<hbm>>) dst(%arg7 : memref<158x128xi32, #tpu.memory_space<vmem>>)
      tpu.yield
    }) : () -> ()
    "tpu.region"() ({
      %run_scoped3A = tpu.sem_alloc : memref<!tpu.dma_semaphore, #tpu.memory_space<semaphore_mem>>
      %dma_start3A_104 = arith.constant 0 : i32
      %dma_start3A_105 = arith.constant 0 : i32
      %dma_start3A_106 = tpu.memref_slice %arg4[%add3A, %dma_start3A_104, %dma_start3A_105] : memref<32x158x128xi32, #tpu.memory_space<hbm>> -> memref<1x158x128xi32, #tpu.memory_space<hbm>>
      %dma_start3A_107 = tpu.memref_squeeze %dma_start3A_106 : memref<1x158x128xi32, #tpu.memory_space<hbm>> -> memref<158x128xi32, #tpu.memory_space<hbm>>
      %dma_start3A_108 = arith.constant 0 : i32
      %dma_start3A_109 = arith.constant 0 : i32
      %dma_start3A_110 = tpu.memref_slice %arg4[%add3A, %dma_start3A_108, %dma_start3A_109] : memref<32x158x128xi32, #tpu.memory_space<hbm>> -> memref<1x158x128xi32, #tpu.memory_space<hbm>>
      %dma_start3A_111 = tpu.memref_squeeze %dma_start3A_110 : memref<1x158x128xi32, #tpu.memory_space<hbm>> -> memref<158x128xi32, #tpu.memory_space<hbm>>
      tpu.enqueue_dma source(%dma_start3A_111 : memref<158x128xi32, #tpu.memory_space<hbm>>) target(%arg8 : memref<158x128xi32, #tpu.memory_space<vmem>>) target_semaphore(%run_scoped3A : memref<!tpu.dma_semaphore, #tpu.memory_space<semaphore_mem>>)
      %dma_wait3A_112 = arith.constant 0 : i32
      %dma_wait3A_113 = arith.constant 0 : i32
      %dma_wait3A_114 = tpu.memref_slice %arg4[%add3A, %dma_wait3A_112, %dma_wait3A_113] : memref<32x158x128xi32, #tpu.memory_space<hbm>> -> memref<1x158x128xi32, #tpu.memory_space<hbm>>
      %dma_wait3A_115 = tpu.memref_squeeze %dma_wait3A_114 : memref<1x158x128xi32, #tpu.memory_space<hbm>> -> memref<158x128xi32, #tpu.memory_space<hbm>>
      %dma_wait3A_116 = arith.constant 0 : i32
      %dma_wait3A_117 = arith.constant 0 : i32
      %dma_wait3A_118 = tpu.memref_slice %arg4[%add3A, %dma_wait3A_116, %dma_wait3A_117] : memref<32x158x128xi32, #tpu.memory_space<hbm>> -> memref<1x158x128xi32, #tpu.memory_space<hbm>>
      %dma_wait3A_119 = tpu.memref_squeeze %dma_wait3A_118 : memref<1x158x128xi32, #tpu.memory_space<hbm>> -> memref<158x128xi32, #tpu.memory_space<hbm>>
      tpu.wait_dma2 semaphore(%run_scoped3A : memref<!tpu.dma_semaphore, #tpu.memory_space<semaphore_mem>>) src(%dma_wait3A_119 : memref<158x128xi32, #tpu.memory_space<hbm>>) dst(%arg8 : memref<158x128xi32, #tpu.memory_space<vmem>>)
      tpu.yield
    }) : () -> ()
    %barrier3A = arith.constant 0 : index
    tpu.barrier barrier_id(%barrier3A)
    %dma_start3A = arith.constant 0 : i32
    %dma_start3A_3 = arith.constant 0 : i32
    %dma_start3A_4 = arith.constant 0 : i32
    %dma_start3A_5 = arith.constant 0 : i32
    %dma_start3A_6 = arith.constant 0 : i32
    %dma_start3A_7 = tpu.memref_slice %arg9[%dma_start3A_3, %dma_start3A_5, %dma_start3A_6] : memref<4x128x64xf32, #tpu.memory_space<vmem>> -> memref<1x128x64xf32, #tpu.memory_space<vmem>>
    %dma_start3A_8 = tpu.memref_squeeze %dma_start3A_7 : memref<1x128x64xf32, #tpu.memory_space<vmem>> -> memref<128x64xf32, #tpu.memory_space<vmem>>
    %dma_start3A_9 = arith.constant 0 : i32
    %dma_start3A_10 = tpu.memref_slice %arg7[%dma_start3A, %dma_start3A_9] : memref<158x128xi32, #tpu.memory_space<vmem>> -> memref<1x128xi32, #tpu.memory_space<vmem>>
    %dma_start3A_11 = tpu.memref_squeeze %dma_start3A_10 : memref<1x128xi32, #tpu.memory_space<vmem>> -> memref<128xi32, #tpu.memory_space<vmem>>
    %dma_start3A_12 = arith.constant 0 : i32
    %dma_start3A_13 = arith.constant 0 : i32
    %dma_start3A_14 = tpu.memref_slice %arg2[%dma_start3A_12, %dma_start3A_13] : memref<10000x64xf32, #tpu.memory_space<hbm>> -> memref<10000x64xf32, #tpu.memory_space<hbm>>
    %dma_start3A_15 = tpu.memref_slice %arg11[%dma_start3A_4] : memref<4x!tpu.dma_semaphore, #tpu.memory_space<semaphore_mem>> -> memref<1x!tpu.dma_semaphore, #tpu.memory_space<semaphore_mem>>
    %dma_start3A_16 = tpu.memref_squeeze %dma_start3A_15 : memref<1x!tpu.dma_semaphore, #tpu.memory_space<semaphore_mem>> -> memref<!tpu.dma_semaphore, #tpu.memory_space<semaphore_mem>>
    tpu.enqueue_indirect_dma source(%dma_start3A_14 : memref<10000x64xf32, #tpu.memory_space<hbm>>) target(%dma_start3A_8 : memref<128x64xf32, #tpu.memory_space<vmem>>) offsets(%dma_start3A_11 : memref<128xi32, #tpu.memory_space<vmem>>) semaphore(%dma_start3A_16 : memref<!tpu.dma_semaphore, #tpu.memory_space<semaphore_mem>>)
    %dma_start3A_17 = arith.constant 1 : i32
    %dma_start3A_18 = arith.constant 1 : i32
    %dma_start3A_19 = arith.constant 1 : i32
    %dma_start3A_20 = arith.constant 0 : i32
    %dma_start3A_21 = arith.constant 0 : i32
    %dma_start3A_22 = tpu.memref_slice %arg9[%dma_start3A_18, %dma_start3A_20, %dma_start3A_21] : memref<4x128x64xf32, #tpu.memory_space<vmem>> -> memref<1x128x64xf32, #tpu.memory_space<vmem>>
    %dma_start3A_23 = tpu.memref_squeeze %dma_start3A_22 : memref<1x128x64xf32, #tpu.memory_space<vmem>> -> memref<128x64xf32, #tpu.memory_space<vmem>>
    %dma_start3A_24 = arith.constant 0 : i32
    %dma_start3A_25 = tpu.memref_slice %arg7[%dma_start3A_17, %dma_start3A_24] : memref<158x128xi32, #tpu.memory_space<vmem>> -> memref<1x128xi32, #tpu.memory_space<vmem>>
    %dma_start3A_26 = tpu.memref_squeeze %dma_start3A_25 : memref<1x128xi32, #tpu.memory_space<vmem>> -> memref<128xi32, #tpu.memory_space<vmem>>
    %dma_start3A_27 = arith.constant 0 : i32
    %dma_start3A_28 = arith.constant 0 : i32
    %dma_start3A_29 = tpu.memref_slice %arg2[%dma_start3A_27, %dma_start3A_28] : memref<10000x64xf32, #tpu.memory_space<hbm>> -> memref<10000x64xf32, #tpu.memory_space<hbm>>
    %dma_start3A_30 = tpu.memref_slice %arg11[%dma_start3A_19] : memref<4x!tpu.dma_semaphore, #tpu.memory_space<semaphore_mem>> -> memref<1x!tpu.dma_semaphore, #tpu.memory_space<semaphore_mem>>
    %dma_start3A_31 = tpu.memref_squeeze %dma_start3A_30 : memref<1x!tpu.dma_semaphore, #tpu.memory_space<semaphore_mem>> -> memref<!tpu.dma_semaphore, #tpu.memory_space<semaphore_mem>>
    tpu.enqueue_indirect_dma source(%dma_start3A_29 : memref<10000x64xf32, #tpu.memory_space<hbm>>) target(%dma_start3A_23 : memref<128x64xf32, #tpu.memory_space<vmem>>) offsets(%dma_start3A_26 : memref<128xi32, #tpu.memory_space<vmem>>) semaphore(%dma_start3A_31 : memref<!tpu.dma_semaphore, #tpu.memory_space<semaphore_mem>>)
    %scan3A = arith.constant 0 : i32
    %scan3A_32 = arith.constant 0 : i32
    %scan3A_33 = arith.constant 158 : i32
    %scan3A_34 = arith.addi %scan3A_32, %scan3A_33 : i32
    %scan3A_35 = arith.constant 1 : i32
    scf.for %scan3A_104 = %scan3A_32 to %scan3A_34 step %scan3A_35  : i32 {
      %rem3A = arith.constant 4 : i32
      %rem3A_105 = arith.remsi %scan3A_104, %rem3A : i32
      %dma_wait3A_106 = arith.constant 0 : i32
      %dma_wait3A_107 = arith.constant 0 : i32
      %dma_wait3A_108 = tpu.memref_slice %arg9[%rem3A_105, %dma_wait3A_106, %dma_wait3A_107] : memref<4x128x64xf32, #tpu.memory_space<vmem>> -> memref<1x128x64xf32, #tpu.memory_space<vmem>>
      %dma_wait3A_109 = tpu.memref_squeeze %dma_wait3A_108 : memref<1x128x64xf32, #tpu.memory_space<vmem>> -> memref<128x64xf32, #tpu.memory_space<vmem>>
      %dma_wait3A_110 = arith.constant 0 : i32
      %dma_wait3A_111 = tpu.memref_slice %arg7[%scan3A_104, %dma_wait3A_110] : memref<158x128xi32, #tpu.memory_space<vmem>> -> memref<1x128xi32, #tpu.memory_space<vmem>>
      %dma_wait3A_112 = tpu.memref_squeeze %dma_wait3A_111 : memref<1x128xi32, #tpu.memory_space<vmem>> -> memref<128xi32, #tpu.memory_space<vmem>>
      %dma_wait3A_113 = arith.constant 0 : i32
      %dma_wait3A_114 = arith.constant 0 : i32
      %dma_wait3A_115 = tpu.memref_slice %arg2[%dma_wait3A_113, %dma_wait3A_114] : memref<10000x64xf32, #tpu.memory_space<hbm>> -> memref<10000x64xf32, #tpu.memory_space<hbm>>
      %dma_wait3A_116 = tpu.memref_slice %arg11[%rem3A_105] : memref<4x!tpu.dma_semaphore, #tpu.memory_space<semaphore_mem>> -> memref<1x!tpu.dma_semaphore, #tpu.memory_space<semaphore_mem>>
      %dma_wait3A_117 = tpu.memref_squeeze %dma_wait3A_116 : memref<1x!tpu.dma_semaphore, #tpu.memory_space<semaphore_mem>> -> memref<!tpu.dma_semaphore, #tpu.memory_space<semaphore_mem>>
      tpu.wait_indirect_dma semaphore(%dma_wait3A_117 : memref<!tpu.dma_semaphore, #tpu.memory_space<semaphore_mem>>) src(%dma_wait3A_115 : memref<10000x64xf32, #tpu.memory_space<hbm>>) dst(%dma_wait3A_109 : memref<128x64xf32, #tpu.memory_space<vmem>>)
      %dma_start3A_118 = arith.constant 0 : i32
      %dma_start3A_119 = arith.constant 0 : i32
      %dma_start3A_120 = tpu.memref_slice %arg9[%rem3A_105, %dma_start3A_118, %dma_start3A_119] : memref<4x128x64xf32, #tpu.memory_space<vmem>> -> memref<1x128x64xf32, #tpu.memory_space<vmem>>
      %dma_start3A_121 = tpu.memref_squeeze %dma_start3A_120 : memref<1x128x64xf32, #tpu.memory_space<vmem>> -> memref<128x64xf32, #tpu.memory_space<vmem>>
      %dma_start3A_122 = arith.constant 0 : i32
      %dma_start3A_123 = tpu.memref_slice %arg8[%scan3A_104, %dma_start3A_122] : memref<158x128xi32, #tpu.memory_space<vmem>> -> memref<1x128xi32, #tpu.memory_space<vmem>>
      %dma_start3A_124 = tpu.memref_squeeze %dma_start3A_123 : memref<1x128xi32, #tpu.memory_space<vmem>> -> memref<128xi32, #tpu.memory_space<vmem>>
      %dma_start3A_125 = arith.constant 0 : i32
      %dma_start3A_126 = arith.constant 0 : i32
      %dma_start3A_127 = tpu.memref_slice %arg10[%dma_start3A_125, %dma_start3A_126] : memref<10240x64xf32, #tpu.memory_space<vmem_shared>> -> memref<10240x64xf32, #tpu.memory_space<vmem_shared>>
      %dma_start3A_128 = tpu.memref_slice %arg12[%rem3A_105] : memref<4x!tpu.dma_semaphore, #tpu.memory_space<semaphore_mem>> -> memref<1x!tpu.dma_semaphore, #tpu.memory_space<semaphore_mem>>
      %dma_start3A_129 = tpu.memref_squeeze %dma_start3A_128 : memref<1x!tpu.dma_semaphore, #tpu.memory_space<semaphore_mem>> -> memref<!tpu.dma_semaphore, #tpu.memory_space<semaphore_mem>>
      tpu.enqueue_indirect_dma source(%dma_start3A_121 : memref<128x64xf32, #tpu.memory_space<vmem>>) target(%dma_start3A_127 : memref<10240x64xf32, #tpu.memory_space<vmem_shared>>) offsets(%dma_start3A_124 : memref<128xi32, #tpu.memory_space<vmem>>) semaphore(%dma_start3A_129 : memref<!tpu.dma_semaphore, #tpu.memory_space<semaphore_mem>>) {add = true}
      %add3A_130 = arith.constant 2 : i32
      %add3A_131 = arith.addi %scan3A_104, %add3A_130 : i32
      %rem3A_132 = arith.constant 4 : i32
      %rem3A_133 = arith.remsi %add3A_131, %rem3A_132 : i32
      %ge3A = arith.constant 2 : i32
      %ge3A_134 = arith.cmpi sge, %scan3A_104, %ge3A : i32
      %add3A_135 = arith.constant 2 : i32
      %add3A_136 = arith.addi %scan3A_104, %add3A_135 : i32
      %lt3A = arith.constant 158 : i32
      %lt3A_137 = arith.cmpi slt, %add3A_136, %lt3A : i32
      %and3A = arith.andi %ge3A_134, %lt3A_137 : i1
      %convert_element_type3A = arith.extui %and3A : i1 to i32
      %cond3A = arith.constant 0 : i32
      %cond3A_138 = arith.cmpi ne, %convert_element_type3A, %cond3A : i32
      scf.if %cond3A_138 {
        %sub3A = arith.constant 2 : i32
        %sub3A_146 = arith.subi %scan3A_104, %sub3A : i32
        %dma_wait3A_147 = arith.constant 0 : i32
        %dma_wait3A_148 = arith.constant 0 : i32
        %dma_wait3A_149 = tpu.memref_slice %arg9[%rem3A_133, %dma_wait3A_147, %dma_wait3A_148] : memref<4x128x64xf32, #tpu.memory_space<vmem>> -> memref<1x128x64xf32, #tpu.memory_space<vmem>>
        %dma_wait3A_150 = tpu.memref_squeeze %dma_wait3A_149 : memref<1x128x64xf32, #tpu.memory_space<vmem>> -> memref<128x64xf32, #tpu.memory_space<vmem>>
        %dma_wait3A_151 = arith.constant 0 : i32
        %dma_wait3A_152 = tpu.memref_slice %arg8[%sub3A_146, %dma_wait3A_151] : memref<158x128xi32, #tpu.memory_space<vmem>> -> memref<1x128xi32, #tpu.memory_space<vmem>>
        %dma_wait3A_153 = tpu.memref_squeeze %dma_wait3A_152 : memref<1x128xi32, #tpu.memory_space<vmem>> -> memref<128xi32, #tpu.memory_space<vmem>>
        %dma_wait3A_154 = arith.constant 0 : i32
        %dma_wait3A_155 = arith.constant 0 : i32
        %dma_wait3A_156 = tpu.memref_slice %arg10[%dma_wait3A_154, %dma_wait3A_155] : memref<10240x64xf32, #tpu.memory_space<vmem_shared>> -> memref<10240x64xf32, #tpu.memory_space<vmem_shared>>
        %dma_wait3A_157 = tpu.memref_slice %arg12[%rem3A_133] : memref<4x!tpu.dma_semaphore, #tpu.memory_space<semaphore_mem>> -> memref<1x!tpu.dma_semaphore, #tpu.memory_space<semaphore_mem>>
        %dma_wait3A_158 = tpu.memref_squeeze %dma_wait3A_157 : memref<1x!tpu.dma_semaphore, #tpu.memory_space<semaphore_mem>> -> memref<!tpu.dma_semaphore, #tpu.memory_space<semaphore_mem>>
        tpu.wait_indirect_dma semaphore(%dma_wait3A_158 : memref<!tpu.dma_semaphore, #tpu.memory_space<semaphore_mem>>) src(%dma_wait3A_150 : memref<128x64xf32, #tpu.memory_space<vmem>>) dst(%dma_wait3A_156 : memref<10240x64xf32, #tpu.memory_space<vmem_shared>>)
      } else {
      }
      %add3A_139 = arith.constant 2 : i32
      %add3A_140 = arith.addi %scan3A_104, %add3A_139 : i32
      %lt3A_141 = arith.constant 158 : i32
      %lt3A_142 = arith.cmpi slt, %add3A_140, %lt3A_141 : i32
      %convert_element_type3A_143 = arith.extui %lt3A_142 : i1 to i32
      %cond3A_144 = arith.constant 0 : i32
      %cond3A_145 = arith.cmpi ne, %convert_element_type3A_143, %cond3A_144 : i32
      scf.if %cond3A_145 {
        %add3A_146 = arith.constant 2 : i32
        %add3A_147 = arith.addi %scan3A_104, %add3A_146 : i32
        %dma_start3A_148 = arith.constant 0 : i32
        %dma_start3A_149 = arith.constant 0 : i32
        %dma_start3A_150 = tpu.memref_slice %arg9[%rem3A_133, %dma_start3A_148, %dma_start3A_149] : memref<4x128x64xf32, #tpu.memory_space<vmem>> -> memref<1x128x64xf32, #tpu.memory_space<vmem>>
        %dma_start3A_151 = tpu.memref_squeeze %dma_start3A_150 : memref<1x128x64xf32, #tpu.memory_space<vmem>> -> memref<128x64xf32, #tpu.memory_space<vmem>>
        %dma_start3A_152 = arith.constant 0 : i32
        %dma_start3A_153 = tpu.memref_slice %arg7[%add3A_147, %dma_start3A_152] : memref<158x128xi32, #tpu.memory_space<vmem>> -> memref<1x128xi32, #tpu.memory_space<vmem>>
        %dma_start3A_154 = tpu.memref_squeeze %dma_start3A_153 : memref<1x128xi32, #tpu.memory_space<vmem>> -> memref<128xi32, #tpu.memory_space<vmem>>
        %dma_start3A_155 = arith.constant 0 : i32
        %dma_start3A_156 = arith.constant 0 : i32
        %dma_start3A_157 = tpu.memref_slice %arg2[%dma_start3A_155, %dma_start3A_156] : memref<10000x64xf32, #tpu.memory_space<hbm>> -> memref<10000x64xf32, #tpu.memory_space<hbm>>
        %dma_start3A_158 = tpu.memref_slice %arg11[%rem3A_133] : memref<4x!tpu.dma_semaphore, #tpu.memory_space<semaphore_mem>> -> memref<1x!tpu.dma_semaphore, #tpu.memory_space<semaphore_mem>>
        %dma_start3A_159 = tpu.memref_squeeze %dma_start3A_158 : memref<1x!tpu.dma_semaphore, #tpu.memory_space<semaphore_mem>> -> memref<!tpu.dma_semaphore, #tpu.memory_space<semaphore_mem>>
        tpu.enqueue_indirect_dma source(%dma_start3A_157 : memref<10000x64xf32, #tpu.memory_space<hbm>>) target(%dma_start3A_151 : memref<128x64xf32, #tpu.memory_space<vmem>>) offsets(%dma_start3A_154 : memref<128xi32, #tpu.memory_space<vmem>>) semaphore(%dma_start3A_159 : memref<!tpu.dma_semaphore, #tpu.memory_space<semaphore_mem>>)
      } else {
      }
    }
    %scan3A_36 = arith.constant 158 : i32
    %dma_wait3A = arith.constant 2 : i32
    %dma_wait3A_37 = arith.constant 154 : i32
    %dma_wait3A_38 = arith.constant 2 : i32
    %dma_wait3A_39 = arith.constant 0 : i32
    %dma_wait3A_40 = arith.constant 0 : i32
    %dma_wait3A_41 = tpu.memref_slice %arg9[%dma_wait3A, %dma_wait3A_39, %dma_wait3A_40] : memref<4x128x64xf32, #tpu.memory_space<vmem>> -> memref<1x128x64xf32, #tpu.memory_space<vmem>>
    %dma_wait3A_42 = tpu.memref_squeeze %dma_wait3A_41 : memref<1x128x64xf32, #tpu.memory_space<vmem>> -> memref<128x64xf32, #tpu.memory_space<vmem>>
    %dma_wait3A_43 = arith.constant 0 : i32
    %dma_wait3A_44 = tpu.memref_slice %arg8[%dma_wait3A_37, %dma_wait3A_43] : memref<158x128xi32, #tpu.memory_space<vmem>> -> memref<1x128xi32, #tpu.memory_space<vmem>>
    %dma_wait3A_45 = tpu.memref_squeeze %dma_wait3A_44 : memref<1x128xi32, #tpu.memory_space<vmem>> -> memref<128xi32, #tpu.memory_space<vmem>>
    %dma_wait3A_46 = arith.constant 0 : i32
    %dma_wait3A_47 = arith.constant 0 : i32
    %dma_wait3A_48 = tpu.memref_slice %arg10[%dma_wait3A_46, %dma_wait3A_47] : memref<10240x64xf32, #tpu.memory_space<vmem_shared>> -> memref<10240x64xf32, #tpu.memory_space<vmem_shared>>
    %dma_wait3A_49 = tpu.memref_slice %arg12[%dma_wait3A_38] : memref<4x!tpu.dma_semaphore, #tpu.memory_space<semaphore_mem>> -> memref<1x!tpu.dma_semaphore, #tpu.memory_space<semaphore_mem>>
    %dma_wait3A_50 = tpu.memref_squeeze %dma_wait3A_49 : memref<1x!tpu.dma_semaphore, #tpu.memory_space<semaphore_mem>> -> memref<!tpu.dma_semaphore, #tpu.memory_space<semaphore_mem>>
    tpu.wait_indirect_dma semaphore(%dma_wait3A_50 : memref<!tpu.dma_semaphore, #tpu.memory_space<semaphore_mem>>) src(%dma_wait3A_42 : memref<128x64xf32, #tpu.memory_space<vmem>>) dst(%dma_wait3A_48 : memref<10240x64xf32, #tpu.memory_space<vmem_shared>>)
    %dma_wait3A_51 = arith.constant 3 : i32
    %dma_wait3A_52 = arith.constant 155 : i32
    %dma_wait3A_53 = arith.constant 3 : i32
    %dma_wait3A_54 = arith.constant 0 : i32
    %dma_wait3A_55 = arith.constant 0 : i32
    %dma_wait3A_56 = tpu.memref_slice %arg9[%dma_wait3A_51, %dma_wait3A_54, %dma_wait3A_55] : memref<4x128x64xf32, #tpu.memory_space<vmem>> -> memref<1x128x64xf32, #tpu.memory_space<vmem>>
    %dma_wait3A_57 = tpu.memref_squeeze %dma_wait3A_56 : memref<1x128x64xf32, #tpu.memory_space<vmem>> -> memref<128x64xf32, #tpu.memory_space<vmem>>
    %dma_wait3A_58 = arith.constant 0 : i32
    %dma_wait3A_59 = tpu.memref_slice %arg8[%dma_wait3A_52, %dma_wait3A_58] : memref<158x128xi32, #tpu.memory_space<vmem>> -> memref<1x128xi32, #tpu.memory_space<vmem>>
    %dma_wait3A_60 = tpu.memref_squeeze %dma_wait3A_59 : memref<1x128xi32, #tpu.memory_space<vmem>> -> memref<128xi32, #tpu.memory_space<vmem>>
    %dma_wait3A_61 = arith.constant 0 : i32
    %dma_wait3A_62 = arith.constant 0 : i32
    %dma_wait3A_63 = tpu.memref_slice %arg10[%dma_wait3A_61, %dma_wait3A_62] : memref<10240x64xf32, #tpu.memory_space<vmem_shared>> -> memref<10240x64xf32, #tpu.memory_space<vmem_shared>>
    %dma_wait3A_64 = tpu.memref_slice %arg12[%dma_wait3A_53] : memref<4x!tpu.dma_semaphore, #tpu.memory_space<semaphore_mem>> -> memref<1x!tpu.dma_semaphore, #tpu.memory_space<semaphore_mem>>
    %dma_wait3A_65 = tpu.memref_squeeze %dma_wait3A_64 : memref<1x!tpu.dma_semaphore, #tpu.memory_space<semaphore_mem>> -> memref<!tpu.dma_semaphore, #tpu.memory_space<semaphore_mem>>
    tpu.wait_indirect_dma semaphore(%dma_wait3A_65 : memref<!tpu.dma_semaphore, #tpu.memory_space<semaphore_mem>>) src(%dma_wait3A_57 : memref<128x64xf32, #tpu.memory_space<vmem>>) dst(%dma_wait3A_63 : memref<10240x64xf32, #tpu.memory_space<vmem_shared>>)
    %dma_wait3A_66 = arith.constant 0 : i32
    %dma_wait3A_67 = arith.constant 156 : i32
    %dma_wait3A_68 = arith.constant 0 : i32
    %dma_wait3A_69 = arith.constant 0 : i32
    %dma_wait3A_70 = arith.constant 0 : i32
    %dma_wait3A_71 = tpu.memref_slice %arg9[%dma_wait3A_66, %dma_wait3A_69, %dma_wait3A_70] : memref<4x128x64xf32, #tpu.memory_space<vmem>> -> memref<1x128x64xf32, #tpu.memory_space<vmem>>
    %dma_wait3A_72 = tpu.memref_squeeze %dma_wait3A_71 : memref<1x128x64xf32, #tpu.memory_space<vmem>> -> memref<128x64xf32, #tpu.memory_space<vmem>>
    %dma_wait3A_73 = arith.constant 0 : i32
    %dma_wait3A_74 = tpu.memref_slice %arg8[%dma_wait3A_67, %dma_wait3A_73] : memref<158x128xi32, #tpu.memory_space<vmem>> -> memref<1x128xi32, #tpu.memory_space<vmem>>
    %dma_wait3A_75 = tpu.memref_squeeze %dma_wait3A_74 : memref<1x128xi32, #tpu.memory_space<vmem>> -> memref<128xi32, #tpu.memory_space<vmem>>
    %dma_wait3A_76 = arith.constant 0 : i32
    %dma_wait3A_77 = arith.constant 0 : i32
    %dma_wait3A_78 = tpu.memref_slice %arg10[%dma_wait3A_76, %dma_wait3A_77] : memref<10240x64xf32, #tpu.memory_space<vmem_shared>> -> memref<10240x64xf32, #tpu.memory_space<vmem_shared>>
    %dma_wait3A_79 = tpu.memref_slice %arg12[%dma_wait3A_68] : memref<4x!tpu.dma_semaphore, #tpu.memory_space<semaphore_mem>> -> memref<1x!tpu.dma_semaphore, #tpu.memory_space<semaphore_mem>>
    %dma_wait3A_80 = tpu.memref_squeeze %dma_wait3A_79 : memref<1x!tpu.dma_semaphore, #tpu.memory_space<semaphore_mem>> -> memref<!tpu.dma_semaphore, #tpu.memory_space<semaphore_mem>>
    tpu.wait_indirect_dma semaphore(%dma_wait3A_80 : memref<!tpu.dma_semaphore, #tpu.memory_space<semaphore_mem>>) src(%dma_wait3A_72 : memref<128x64xf32, #tpu.memory_space<vmem>>) dst(%dma_wait3A_78 : memref<10240x64xf32, #tpu.memory_space<vmem_shared>>)
    %dma_wait3A_81 = arith.constant 1 : i32
    %dma_wait3A_82 = arith.constant 157 : i32
    %dma_wait3A_83 = arith.constant 1 : i32
    %dma_wait3A_84 = arith.constant 0 : i32
    %dma_wait3A_85 = arith.constant 0 : i32
    %dma_wait3A_86 = tpu.memref_slice %arg9[%dma_wait3A_81, %dma_wait3A_84, %dma_wait3A_85] : memref<4x128x64xf32, #tpu.memory_space<vmem>> -> memref<1x128x64xf32, #tpu.memory_space<vmem>>
    %dma_wait3A_87 = tpu.memref_squeeze %dma_wait3A_86 : memref<1x128x64xf32, #tpu.memory_space<vmem>> -> memref<128x64xf32, #tpu.memory_space<vmem>>
    %dma_wait3A_88 = arith.constant 0 : i32
    %dma_wait3A_89 = tpu.memref_slice %arg8[%dma_wait3A_82, %dma_wait3A_88] : memref<158x128xi32, #tpu.memory_space<vmem>> -> memref<1x128xi32, #tpu.memory_space<vmem>>
    %dma_wait3A_90 = tpu.memref_squeeze %dma_wait3A_89 : memref<1x128xi32, #tpu.memory_space<vmem>> -> memref<128xi32, #tpu.memory_space<vmem>>
    %dma_wait3A_91 = arith.constant 0 : i32
    %dma_wait3A_92 = arith.constant 0 : i32
    %dma_wait3A_93 = tpu.memref_slice %arg10[%dma_wait3A_91, %dma_wait3A_92] : memref<10240x64xf32, #tpu.memory_space<vmem_shared>> -> memref<10240x64xf32, #tpu.memory_space<vmem_shared>>
    %dma_wait3A_94 = tpu.memref_slice %arg12[%dma_wait3A_83] : memref<4x!tpu.dma_semaphore, #tpu.memory_space<semaphore_mem>> -> memref<1x!tpu.dma_semaphore, #tpu.memory_space<semaphore_mem>>
    %dma_wait3A_95 = tpu.memref_squeeze %dma_wait3A_94 : memref<1x!tpu.dma_semaphore, #tpu.memory_space<semaphore_mem>> -> memref<!tpu.dma_semaphore, #tpu.memory_space<semaphore_mem>>
    tpu.wait_indirect_dma semaphore(%dma_wait3A_95 : memref<!tpu.dma_semaphore, #tpu.memory_space<semaphore_mem>>) src(%dma_wait3A_87 : memref<128x64xf32, #tpu.memory_space<vmem>>) dst(%dma_wait3A_93 : memref<10240x64xf32, #tpu.memory_space<vmem_shared>>)
    %barrier3A_96 = arith.constant 0 : index
    tpu.barrier barrier_id(%barrier3A_96)
    %mul3A_97 = arith.constant 10240 : i32
    %mul3A_98 = arith.muli %arg0, %mul3A_97 : i32
    %mul3A_99 = arith.constant 640 : i32
    %mul3A_100 = arith.muli %arg1, %mul3A_99 : i32
    %add3A_101 = arith.addi %mul3A_98, %mul3A_100 : i32
    %mul3A_102 = arith.constant 640 : i32
    %mul3A_103 = arith.muli %arg1, %mul3A_102 : i32
    "tpu.region"() ({
      %run_scoped3A = tpu.sem_alloc : memref<!tpu.dma_semaphore, #tpu.memory_space<semaphore_mem>>
      %dma_start3A_104 = arith.constant 0 : i32
      %dma_start3A_105 = tpu.memref_slice %arg6[%add3A_101, %dma_start3A_104] : memref<20480x64xf32, #tpu.memory_space<hbm>> -> memref<640x64xf32, #tpu.memory_space<hbm>>
      %dma_start3A_106 = arith.constant 0 : i32
      %dma_start3A_107 = tpu.memref_slice %arg10[%mul3A_103, %dma_start3A_106] : memref<10240x64xf32, #tpu.memory_space<vmem_shared>> -> memref<640x64xf32, #tpu.memory_space<vmem_shared>>
      tpu.enqueue_dma source(%dma_start3A_107 : memref<640x64xf32, #tpu.memory_space<vmem_shared>>) target(%dma_start3A_105 : memref<640x64xf32, #tpu.memory_space<hbm>>) target_semaphore(%run_scoped3A : memref<!tpu.dma_semaphore, #tpu.memory_space<semaphore_mem>>)
      %dma_wait3A_108 = arith.constant 0 : i32
      %dma_wait3A_109 = tpu.memref_slice %arg6[%add3A_101, %dma_wait3A_108] : memref<20480x64xf32, #tpu.memory_space<hbm>> -> memref<640x64xf32, #tpu.memory_space<hbm>>
      %dma_wait3A_110 = arith.constant 0 : i32
      %dma_wait3A_111 = tpu.memref_slice %arg10[%mul3A_103, %dma_wait3A_110] : memref<10240x64xf32, #tpu.memory_space<vmem_shared>> -> memref<640x64xf32, #tpu.memory_space<vmem_shared>>
      tpu.wait_dma2 semaphore(%run_scoped3A : memref<!tpu.dma_semaphore, #tpu.memory_space<semaphore_mem>>) src(%dma_wait3A_111 : memref<640x64xf32, #tpu.memory_space<vmem_shared>>) dst(%dma_wait3A_109 : memref<640x64xf32, #tpu.memory_space<hbm>>)
      tpu.yield
    }) : () -> ()
    return
  }
}

#map = affine_map<(d0, d1) -> (0, 0)>
#map1 = affine_map<(d0, d1) -> (0, 0, 0)>
module attributes {stable_mosaic.version = 14 : i64} {
  func.func @_edge_agg_body(%arg0: i32, %arg1: i32, %arg2: memref<10000x64xf32, #tpu.memory_space<hbm>>, %arg3: memref<32x158x128xi32, #tpu.memory_space<hbm>>, %arg4: memref<32x158x128xi32, #tpu.memory_space<hbm>>, %arg5: memref<640x64xf32, #tpu.memory_space<hbm>>, %arg6: memref<20480x64xf32, #tpu.memory_space<hbm>>, %arg7: memref<158x128xi32, #tpu.memory_space<vmem>>, %arg8: memref<158x128xi32, #tpu.memory_space<vmem>>, %arg9: memref<4x128x64xf32, #tpu.memory_space<vmem>>, %arg10: memref<10240x64xf32, #tpu.memory_space<vmem_shared>>, %arg11: memref<4x!tpu.dma_semaphore, #tpu.memory_space<semaphore_mem>>, %arg12: memref<4x!tpu.dma_semaphore, #tpu.memory_space<semaphore_mem>>) attributes {dimension_semantics = [#tpu.dimension_semantics<core_parallel>, #tpu.dimension_semantics<subcore_parallel>], iteration_bounds = array<i64: 2, 16>, scalar_prefetch = 0 : i64, scratch_operands = 6 : i64, tpu.core_type = #tpu.core_type<sc_vector_subcore>, window_params = [{transform_indices = #map}, {transform_indices = #map1}, {transform_indices = #map1}, {transform_indices = #map}, {transform_indices = #map}]} {
    %mul3A = arith.constant 16 : i32
    %mul3A_0 = arith.muli %arg0, %mul3A : i32
    %add3A = arith.addi %mul3A_0, %arg1 : i32
    %mul3A_1 = arith.constant 640 : i32
    %mul3A_2 = arith.muli %arg1, %mul3A_1 : i32
    "tpu.region"() ({
      %run_scoped3A = tpu.sem_alloc : memref<!tpu.dma_semaphore, #tpu.memory_space<semaphore_mem>>
      %dma_start3A_104 = arith.constant 0 : i32
      %dma_start3A_105 = tpu.memref_slice %arg10[%mul3A_2, %dma_start3A_104] : memref<10240x64xf32, #tpu.memory_space<vmem_shared>> -> memref<640x64xf32, #tpu.memory_space<vmem_shared>>
      tpu.enqueue_dma source(%arg5 : memref<640x64xf32, #tpu.memory_space<hbm>>) target(%dma_start3A_105 : memref<640x64xf32, #tpu.memory_space<vmem_shared>>) target_semaphore(%run_scoped3A : memref<!tpu.dma_semaphore, #tpu.memory_space<semaphore_mem>>)
      %dma_wait3A_106 = arith.constant 0 : i32
      %dma_wait3A_107 = tpu.memref_slice %arg10[%mul3A_2, %dma_wait3A_106] : memref<10240x64xf32, #tpu.memory_space<vmem_shared>> -> memref<640x64xf32, #tpu.memory_space<vmem_shared>>
      tpu.wait_dma2 semaphore(%run_scoped3A : memref<!tpu.dma_semaphore, #tpu.memory_space<semaphore_mem>>) src(%arg5 : memref<640x64xf32, #tpu.memory_space<hbm>>) dst(%dma_wait3A_107 : memref<640x64xf32, #tpu.memory_space<vmem_shared>>)
      tpu.yield
    }) : () -> ()
    "tpu.region"() ({
      %run_scoped3A = tpu.sem_alloc : memref<!tpu.dma_semaphore, #tpu.memory_space<semaphore_mem>>
      %dma_start3A_104 = arith.constant 0 : i32
      %dma_start3A_105 = arith.constant 0 : i32
      %dma_start3A_106 = tpu.memref_slice %arg3[%add3A, %dma_start3A_104, %dma_start3A_105] : memref<32x158x128xi32, #tpu.memory_space<hbm>> -> memref<1x158x128xi32, #tpu.memory_space<hbm>>
      %dma_start3A_107 = tpu.memref_squeeze %dma_start3A_106 : memref<1x158x128xi32, #tpu.memory_space<hbm>> -> memref<158x128xi32, #tpu.memory_space<hbm>>
      %dma_start3A_108 = arith.constant 0 : i32
      %dma_start3A_109 = arith.constant 0 : i32
      %dma_start3A_110 = tpu.memref_slice %arg3[%add3A, %dma_start3A_108, %dma_start3A_109] : memref<32x158x128xi32, #tpu.memory_space<hbm>> -> memref<1x158x128xi32, #tpu.memory_space<hbm>>
      %dma_start3A_111 = tpu.memref_squeeze %dma_start3A_110 : memref<1x158x128xi32, #tpu.memory_space<hbm>> -> memref<158x128xi32, #tpu.memory_space<hbm>>
      tpu.enqueue_dma source(%dma_start3A_111 : memref<158x128xi32, #tpu.memory_space<hbm>>) target(%arg7 : memref<158x128xi32, #tpu.memory_space<vmem>>) target_semaphore(%run_scoped3A : memref<!tpu.dma_semaphore, #tpu.memory_space<semaphore_mem>>)
      %dma_wait3A_112 = arith.constant 0 : i32
      %dma_wait3A_113 = arith.constant 0 : i32
      %dma_wait3A_114 = tpu.memref_slice %arg3[%add3A, %dma_wait3A_112, %dma_wait3A_113] : memref<32x158x128xi32, #tpu.memory_space<hbm>> -> memref<1x158x128xi32, #tpu.memory_space<hbm>>
      %dma_wait3A_115 = tpu.memref_squeeze %dma_wait3A_114 : memref<1x158x128xi32, #tpu.memory_space<hbm>> -> memref<158x128xi32, #tpu.memory_space<hbm>>
      %dma_wait3A_116 = arith.constant 0 : i32
      %dma_wait3A_117 = arith.constant 0 : i32
      %dma_wait3A_118 = tpu.memref_slice %arg3[%add3A, %dma_wait3A_116, %dma_wait3A_117] : memref<32x158x128xi32, #tpu.memory_space<hbm>> -> memref<1x158x128xi32, #tpu.memory_space<hbm>>
      %dma_wait3A_119 = tpu.memref_squeeze %dma_wait3A_118 : memref<1x158x128xi32, #tpu.memory_space<hbm>> -> memref<158x128xi32, #tpu.memory_space<hbm>>
      tpu.wait_dma2 semaphore(%run_scoped3A : memref<!tpu.dma_semaphore, #tpu.memory_space<semaphore_mem>>) src(%dma_wait3A_119 : memref<158x128xi32, #tpu.memory_space<hbm>>) dst(%arg7 : memref<158x128xi32, #tpu.memory_space<vmem>>)
      tpu.yield
    }) : () -> ()
    "tpu.region"() ({
      %run_scoped3A = tpu.sem_alloc : memref<!tpu.dma_semaphore, #tpu.memory_space<semaphore_mem>>
      %dma_start3A_104 = arith.constant 0 : i32
      %dma_start3A_105 = arith.constant 0 : i32
      %dma_start3A_106 = tpu.memref_slice %arg4[%add3A, %dma_start3A_104, %dma_start3A_105] : memref<32x158x128xi32, #tpu.memory_space<hbm>> -> memref<1x158x128xi32, #tpu.memory_space<hbm>>
      %dma_start3A_107 = tpu.memref_squeeze %dma_start3A_106 : memref<1x158x128xi32, #tpu.memory_space<hbm>> -> memref<158x128xi32, #tpu.memory_space<hbm>>
      %dma_start3A_108 = arith.constant 0 : i32
      %dma_start3A_109 = arith.constant 0 : i32
      %dma_start3A_110 = tpu.memref_slice %arg4[%add3A, %dma_start3A_108, %dma_start3A_109] : memref<32x158x128xi32, #tpu.memory_space<hbm>> -> memref<1x158x128xi32, #tpu.memory_space<hbm>>
      %dma_start3A_111 = tpu.memref_squeeze %dma_start3A_110 : memref<1x158x128xi32, #tpu.memory_space<hbm>> -> memref<158x128xi32, #tpu.memory_space<hbm>>
      tpu.enqueue_dma source(%dma_start3A_111 : memref<158x128xi32, #tpu.memory_space<hbm>>) target(%arg8 : memref<158x128xi32, #tpu.memory_space<vmem>>) target_semaphore(%run_scoped3A : memref<!tpu.dma_semaphore, #tpu.memory_space<semaphore_mem>>)
      %dma_wait3A_112 = arith.constant 0 : i32
      %dma_wait3A_113 = arith.constant 0 : i32
      %dma_wait3A_114 = tpu.memref_slice %arg4[%add3A, %dma_wait3A_112, %dma_wait3A_113] : memref<32x158x128xi32, #tpu.memory_space<hbm>> -> memref<1x158x128xi32, #tpu.memory_space<hbm>>
      %dma_wait3A_115 = tpu.memref_squeeze %dma_wait3A_114 : memref<1x158x128xi32, #tpu.memory_space<hbm>> -> memref<158x128xi32, #tpu.memory_space<hbm>>
      %dma_wait3A_116 = arith.constant 0 : i32
      %dma_wait3A_117 = arith.constant 0 : i32
      %dma_wait3A_118 = tpu.memref_slice %arg4[%add3A, %dma_wait3A_116, %dma_wait3A_117] : memref<32x158x128xi32, #tpu.memory_space<hbm>> -> memref<1x158x128xi32, #tpu.memory_space<hbm>>
      %dma_wait3A_119 = tpu.memref_squeeze %dma_wait3A_118 : memref<1x158x128xi32, #tpu.memory_space<hbm>> -> memref<158x128xi32, #tpu.memory_space<hbm>>
      tpu.wait_dma2 semaphore(%run_scoped3A : memref<!tpu.dma_semaphore, #tpu.memory_space<semaphore_mem>>) src(%dma_wait3A_119 : memref<158x128xi32, #tpu.memory_space<hbm>>) dst(%arg8 : memref<158x128xi32, #tpu.memory_space<vmem>>)
      tpu.yield
    }) : () -> ()
    %barrier3A = arith.constant 0 : index
    tpu.barrier barrier_id(%barrier3A)
    %dma_start3A = arith.constant 0 : i32
    %dma_start3A_3 = arith.constant 0 : i32
    %dma_start3A_4 = arith.constant 0 : i32
    %dma_start3A_5 = arith.constant 0 : i32
    %dma_start3A_6 = arith.constant 0 : i32
    %dma_start3A_7 = tpu.memref_slice %arg9[%dma_start3A_3, %dma_start3A_5, %dma_start3A_6] : memref<4x128x64xf32, #tpu.memory_space<vmem>> -> memref<1x128x64xf32, #tpu.memory_space<vmem>>
    %dma_start3A_8 = tpu.memref_squeeze %dma_start3A_7 : memref<1x128x64xf32, #tpu.memory_space<vmem>> -> memref<128x64xf32, #tpu.memory_space<vmem>>
    %dma_start3A_9 = arith.constant 0 : i32
    %dma_start3A_10 = tpu.memref_slice %arg7[%dma_start3A, %dma_start3A_9] : memref<158x128xi32, #tpu.memory_space<vmem>> -> memref<1x128xi32, #tpu.memory_space<vmem>>
    %dma_start3A_11 = tpu.memref_squeeze %dma_start3A_10 : memref<1x128xi32, #tpu.memory_space<vmem>> -> memref<128xi32, #tpu.memory_space<vmem>>
    %dma_start3A_12 = arith.constant 0 : i32
    %dma_start3A_13 = arith.constant 0 : i32
    %dma_start3A_14 = tpu.memref_slice %arg2[%dma_start3A_12, %dma_start3A_13] : memref<10000x64xf32, #tpu.memory_space<hbm>> -> memref<10000x64xf32, #tpu.memory_space<hbm>>
    %dma_start3A_15 = tpu.memref_slice %arg11[%dma_start3A_4] : memref<4x!tpu.dma_semaphore, #tpu.memory_space<semaphore_mem>> -> memref<1x!tpu.dma_semaphore, #tpu.memory_space<semaphore_mem>>
    %dma_start3A_16 = tpu.memref_squeeze %dma_start3A_15 : memref<1x!tpu.dma_semaphore, #tpu.memory_space<semaphore_mem>> -> memref<!tpu.dma_semaphore, #tpu.memory_space<semaphore_mem>>
    tpu.enqueue_indirect_dma source(%dma_start3A_14 : memref<10000x64xf32, #tpu.memory_space<hbm>>) target(%dma_start3A_8 : memref<128x64xf32, #tpu.memory_space<vmem>>) offsets(%dma_start3A_11 : memref<128xi32, #tpu.memory_space<vmem>>) semaphore(%dma_start3A_16 : memref<!tpu.dma_semaphore, #tpu.memory_space<semaphore_mem>>)
    %dma_start3A_17 = arith.constant 1 : i32
    %dma_start3A_18 = arith.constant 1 : i32
    %dma_start3A_19 = arith.constant 1 : i32
    %dma_start3A_20 = arith.constant 0 : i32
    %dma_start3A_21 = arith.constant 0 : i32
    %dma_start3A_22 = tpu.memref_slice %arg9[%dma_start3A_18, %dma_start3A_20, %dma_start3A_21] : memref<4x128x64xf32, #tpu.memory_space<vmem>> -> memref<1x128x64xf32, #tpu.memory_space<vmem>>
    %dma_start3A_23 = tpu.memref_squeeze %dma_start3A_22 : memref<1x128x64xf32, #tpu.memory_space<vmem>> -> memref<128x64xf32, #tpu.memory_space<vmem>>
    %dma_start3A_24 = arith.constant 0 : i32
    %dma_start3A_25 = tpu.memref_slice %arg7[%dma_start3A_17, %dma_start3A_24] : memref<158x128xi32, #tpu.memory_space<vmem>> -> memref<1x128xi32, #tpu.memory_space<vmem>>
    %dma_start3A_26 = tpu.memref_squeeze %dma_start3A_25 : memref<1x128xi32, #tpu.memory_space<vmem>> -> memref<128xi32, #tpu.memory_space<vmem>>
    %dma_start3A_27 = arith.constant 0 : i32
    %dma_start3A_28 = arith.constant 0 : i32
    %dma_start3A_29 = tpu.memref_slice %arg2[%dma_start3A_27, %dma_start3A_28] : memref<10000x64xf32, #tpu.memory_space<hbm>> -> memref<10000x64xf32, #tpu.memory_space<hbm>>
    %dma_start3A_30 = tpu.memref_slice %arg11[%dma_start3A_19] : memref<4x!tpu.dma_semaphore, #tpu.memory_space<semaphore_mem>> -> memref<1x!tpu.dma_semaphore, #tpu.memory_space<semaphore_mem>>
    %dma_start3A_31 = tpu.memref_squeeze %dma_start3A_30 : memref<1x!tpu.dma_semaphore, #tpu.memory_space<semaphore_mem>> -> memref<!tpu.dma_semaphore, #tpu.memory_space<semaphore_mem>>
    tpu.enqueue_indirect_dma source(%dma_start3A_29 : memref<10000x64xf32, #tpu.memory_space<hbm>>) target(%dma_start3A_23 : memref<128x64xf32, #tpu.memory_space<vmem>>) offsets(%dma_start3A_26 : memref<128xi32, #tpu.memory_space<vmem>>) semaphore(%dma_start3A_31 : memref<!tpu.dma_semaphore, #tpu.memory_space<semaphore_mem>>)
    %scan3A = arith.constant 0 : i32
    %scan3A_32 = arith.constant 0 : i32
    %scan3A_33 = arith.constant 158 : i32
    %scan3A_34 = arith.addi %scan3A_32, %scan3A_33 : i32
    %scan3A_35 = arith.constant 1 : i32
    scf.for %scan3A_104 = %scan3A_32 to %scan3A_34 step %scan3A_35  : i32 {
      %rem3A = arith.constant 4 : i32
      %rem3A_105 = arith.remsi %scan3A_104, %rem3A : i32
      %dma_wait3A_106 = arith.constant 0 : i32
      %dma_wait3A_107 = arith.constant 0 : i32
      %dma_wait3A_108 = tpu.memref_slice %arg9[%rem3A_105, %dma_wait3A_106, %dma_wait3A_107] : memref<4x128x64xf32, #tpu.memory_space<vmem>> -> memref<1x128x64xf32, #tpu.memory_space<vmem>>
      %dma_wait3A_109 = tpu.memref_squeeze %dma_wait3A_108 : memref<1x128x64xf32, #tpu.memory_space<vmem>> -> memref<128x64xf32, #tpu.memory_space<vmem>>
      %dma_wait3A_110 = arith.constant 0 : i32
      %dma_wait3A_111 = tpu.memref_slice %arg7[%scan3A_104, %dma_wait3A_110] : memref<158x128xi32, #tpu.memory_space<vmem>> -> memref<1x128xi32, #tpu.memory_space<vmem>>
      %dma_wait3A_112 = tpu.memref_squeeze %dma_wait3A_111 : memref<1x128xi32, #tpu.memory_space<vmem>> -> memref<128xi32, #tpu.memory_space<vmem>>
      %dma_wait3A_113 = arith.constant 0 : i32
      %dma_wait3A_114 = arith.constant 0 : i32
      %dma_wait3A_115 = tpu.memref_slice %arg2[%dma_wait3A_113, %dma_wait3A_114] : memref<10000x64xf32, #tpu.memory_space<hbm>> -> memref<10000x64xf32, #tpu.memory_space<hbm>>
      %dma_wait3A_116 = tpu.memref_slice %arg11[%rem3A_105] : memref<4x!tpu.dma_semaphore, #tpu.memory_space<semaphore_mem>> -> memref<1x!tpu.dma_semaphore, #tpu.memory_space<semaphore_mem>>
      %dma_wait3A_117 = tpu.memref_squeeze %dma_wait3A_116 : memref<1x!tpu.dma_semaphore, #tpu.memory_space<semaphore_mem>> -> memref<!tpu.dma_semaphore, #tpu.memory_space<semaphore_mem>>
      tpu.wait_indirect_dma semaphore(%dma_wait3A_117 : memref<!tpu.dma_semaphore, #tpu.memory_space<semaphore_mem>>) src(%dma_wait3A_115 : memref<10000x64xf32, #tpu.memory_space<hbm>>) dst(%dma_wait3A_109 : memref<128x64xf32, #tpu.memory_space<vmem>>)
      %dma_start3A_118 = arith.constant 0 : i32
      %dma_start3A_119 = arith.constant 0 : i32
      %dma_start3A_120 = tpu.memref_slice %arg9[%rem3A_105, %dma_start3A_118, %dma_start3A_119] : memref<4x128x64xf32, #tpu.memory_space<vmem>> -> memref<1x128x64xf32, #tpu.memory_space<vmem>>
      %dma_start3A_121 = tpu.memref_squeeze %dma_start3A_120 : memref<1x128x64xf32, #tpu.memory_space<vmem>> -> memref<128x64xf32, #tpu.memory_space<vmem>>
      %dma_start3A_122 = arith.constant 0 : i32
      %dma_start3A_123 = tpu.memref_slice %arg8[%scan3A_104, %dma_start3A_122] : memref<158x128xi32, #tpu.memory_space<vmem>> -> memref<1x128xi32, #tpu.memory_space<vmem>>
      %dma_start3A_124 = tpu.memref_squeeze %dma_start3A_123 : memref<1x128xi32, #tpu.memory_space<vmem>> -> memref<128xi32, #tpu.memory_space<vmem>>
      %dma_start3A_125 = arith.constant 0 : i32
      %dma_start3A_126 = arith.constant 0 : i32
      %dma_start3A_127 = tpu.memref_slice %arg10[%dma_start3A_125, %dma_start3A_126] : memref<10240x64xf32, #tpu.memory_space<vmem_shared>> -> memref<10240x64xf32, #tpu.memory_space<vmem_shared>>
      %dma_start3A_128 = tpu.memref_slice %arg12[%rem3A_105] : memref<4x!tpu.dma_semaphore, #tpu.memory_space<semaphore_mem>> -> memref<1x!tpu.dma_semaphore, #tpu.memory_space<semaphore_mem>>
      %dma_start3A_129 = tpu.memref_squeeze %dma_start3A_128 : memref<1x!tpu.dma_semaphore, #tpu.memory_space<semaphore_mem>> -> memref<!tpu.dma_semaphore, #tpu.memory_space<semaphore_mem>>
      tpu.enqueue_indirect_dma source(%dma_start3A_121 : memref<128x64xf32, #tpu.memory_space<vmem>>) target(%dma_start3A_127 : memref<10240x64xf32, #tpu.memory_space<vmem_shared>>) offsets(%dma_start3A_124 : memref<128xi32, #tpu.memory_space<vmem>>) semaphore(%dma_start3A_129 : memref<!tpu.dma_semaphore, #tpu.memory_space<semaphore_mem>>) {add = true}
      %add3A_130 = arith.constant 2 : i32
      %add3A_131 = arith.addi %scan3A_104, %add3A_130 : i32
      %rem3A_132 = arith.constant 4 : i32
      %rem3A_133 = arith.remsi %add3A_131, %rem3A_132 : i32
      %ge3A = arith.constant 2 : i32
      %ge3A_134 = arith.cmpi sge, %scan3A_104, %ge3A : i32
      %add3A_135 = arith.constant 2 : i32
      %add3A_136 = arith.addi %scan3A_104, %add3A_135 : i32
      %lt3A = arith.constant 158 : i32
      %lt3A_137 = arith.cmpi slt, %add3A_136, %lt3A : i32
      %and3A = arith.andi %ge3A_134, %lt3A_137 : i1
      %convert_element_type3A = arith.extui %and3A : i1 to i32
      %cond3A = arith.constant 0 : i32
      %cond3A_138 = arith.cmpi ne, %convert_element_type3A, %cond3A : i32
      scf.if %cond3A_138 {
        %sub3A = arith.constant 2 : i32
        %sub3A_146 = arith.subi %scan3A_104, %sub3A : i32
        %dma_wait3A_147 = arith.constant 0 : i32
        %dma_wait3A_148 = arith.constant 0 : i32
        %dma_wait3A_149 = tpu.memref_slice %arg9[%rem3A_133, %dma_wait3A_147, %dma_wait3A_148] : memref<4x128x64xf32, #tpu.memory_space<vmem>> -> memref<1x128x64xf32, #tpu.memory_space<vmem>>
        %dma_wait3A_150 = tpu.memref_squeeze %dma_wait3A_149 : memref<1x128x64xf32, #tpu.memory_space<vmem>> -> memref<128x64xf32, #tpu.memory_space<vmem>>
        %dma_wait3A_151 = arith.constant 0 : i32
        %dma_wait3A_152 = tpu.memref_slice %arg8[%sub3A_146, %dma_wait3A_151] : memref<158x128xi32, #tpu.memory_space<vmem>> -> memref<1x128xi32, #tpu.memory_space<vmem>>
        %dma_wait3A_153 = tpu.memref_squeeze %dma_wait3A_152 : memref<1x128xi32, #tpu.memory_space<vmem>> -> memref<128xi32, #tpu.memory_space<vmem>>
        %dma_wait3A_154 = arith.constant 0 : i32
        %dma_wait3A_155 = arith.constant 0 : i32
        %dma_wait3A_156 = tpu.memref_slice %arg10[%dma_wait3A_154, %dma_wait3A_155] : memref<10240x64xf32, #tpu.memory_space<vmem_shared>> -> memref<10240x64xf32, #tpu.memory_space<vmem_shared>>
        %dma_wait3A_157 = tpu.memref_slice %arg12[%rem3A_133] : memref<4x!tpu.dma_semaphore, #tpu.memory_space<semaphore_mem>> -> memref<1x!tpu.dma_semaphore, #tpu.memory_space<semaphore_mem>>
        %dma_wait3A_158 = tpu.memref_squeeze %dma_wait3A_157 : memref<1x!tpu.dma_semaphore, #tpu.memory_space<semaphore_mem>> -> memref<!tpu.dma_semaphore, #tpu.memory_space<semaphore_mem>>
        tpu.wait_indirect_dma semaphore(%dma_wait3A_158 : memref<!tpu.dma_semaphore, #tpu.memory_space<semaphore_mem>>) src(%dma_wait3A_150 : memref<128x64xf32, #tpu.memory_space<vmem>>) dst(%dma_wait3A_156 : memref<10240x64xf32, #tpu.memory_space<vmem_shared>>)
      } else {
      }
      %add3A_139 = arith.constant 2 : i32
      %add3A_140 = arith.addi %scan3A_104, %add3A_139 : i32
      %lt3A_141 = arith.constant 158 : i32
      %lt3A_142 = arith.cmpi slt, %add3A_140, %lt3A_141 : i32
      %convert_element_type3A_143 = arith.extui %lt3A_142 : i1 to i32
      %cond3A_144 = arith.constant 0 : i32
      %cond3A_145 = arith.cmpi ne, %convert_element_type3A_143, %cond3A_144 : i32
      scf.if %cond3A_145 {
        %add3A_146 = arith.constant 2 : i32
        %add3A_147 = arith.addi %scan3A_104, %add3A_146 : i32
        %dma_start3A_148 = arith.constant 0 : i32
        %dma_start3A_149 = arith.constant 0 : i32
        %dma_start3A_150 = tpu.memref_slice %arg9[%rem3A_133, %dma_start3A_148, %dma_start3A_149] : memref<4x128x64xf32, #tpu.memory_space<vmem>> -> memref<1x128x64xf32, #tpu.memory_space<vmem>>
        %dma_start3A_151 = tpu.memref_squeeze %dma_start3A_150 : memref<1x128x64xf32, #tpu.memory_space<vmem>> -> memref<128x64xf32, #tpu.memory_space<vmem>>
        %dma_start3A_152 = arith.constant 0 : i32
        %dma_start3A_153 = tpu.memref_slice %arg7[%add3A_147, %dma_start3A_152] : memref<158x128xi32, #tpu.memory_space<vmem>> -> memref<1x128xi32, #tpu.memory_space<vmem>>
        %dma_start3A_154 = tpu.memref_squeeze %dma_start3A_153 : memref<1x128xi32, #tpu.memory_space<vmem>> -> memref<128xi32, #tpu.memory_space<vmem>>
        %dma_start3A_155 = arith.constant 0 : i32
        %dma_start3A_156 = arith.constant 0 : i32
        %dma_start3A_157 = tpu.memref_slice %arg2[%dma_start3A_155, %dma_start3A_156] : memref<10000x64xf32, #tpu.memory_space<hbm>> -> memref<10000x64xf32, #tpu.memory_space<hbm>>
        %dma_start3A_158 = tpu.memref_slice %arg11[%rem3A_133] : memref<4x!tpu.dma_semaphore, #tpu.memory_space<semaphore_mem>> -> memref<1x!tpu.dma_semaphore, #tpu.memory_space<semaphore_mem>>
        %dma_start3A_159 = tpu.memref_squeeze %dma_start3A_158 : memref<1x!tpu.dma_semaphore, #tpu.memory_space<semaphore_mem>> -> memref<!tpu.dma_semaphore, #tpu.memory_space<semaphore_mem>>
        tpu.enqueue_indirect_dma source(%dma_start3A_157 : memref<10000x64xf32, #tpu.memory_space<hbm>>) target(%dma_start3A_151 : memref<128x64xf32, #tpu.memory_space<vmem>>) offsets(%dma_start3A_154 : memref<128xi32, #tpu.memory_space<vmem>>) semaphore(%dma_start3A_159 : memref<!tpu.dma_semaphore, #tpu.memory_space<semaphore_mem>>)
      } else {
      }
    }
    %scan3A_36 = arith.constant 158 : i32
    %dma_wait3A = arith.constant 2 : i32
    %dma_wait3A_37 = arith.constant 154 : i32
    %dma_wait3A_38 = arith.constant 2 : i32
    %dma_wait3A_39 = arith.constant 0 : i32
    %dma_wait3A_40 = arith.constant 0 : i32
    %dma_wait3A_41 = tpu.memref_slice %arg9[%dma_wait3A, %dma_wait3A_39, %dma_wait3A_40] : memref<4x128x64xf32, #tpu.memory_space<vmem>> -> memref<1x128x64xf32, #tpu.memory_space<vmem>>
    %dma_wait3A_42 = tpu.memref_squeeze %dma_wait3A_41 : memref<1x128x64xf32, #tpu.memory_space<vmem>> -> memref<128x64xf32, #tpu.memory_space<vmem>>
    %dma_wait3A_43 = arith.constant 0 : i32
    %dma_wait3A_44 = tpu.memref_slice %arg8[%dma_wait3A_37, %dma_wait3A_43] : memref<158x128xi32, #tpu.memory_space<vmem>> -> memref<1x128xi32, #tpu.memory_space<vmem>>
    %dma_wait3A_45 = tpu.memref_squeeze %dma_wait3A_44 : memref<1x128xi32, #tpu.memory_space<vmem>> -> memref<128xi32, #tpu.memory_space<vmem>>
    %dma_wait3A_46 = arith.constant 0 : i32
    %dma_wait3A_47 = arith.constant 0 : i32
    %dma_wait3A_48 = tpu.memref_slice %arg10[%dma_wait3A_46, %dma_wait3A_47] : memref<10240x64xf32, #tpu.memory_space<vmem_shared>> -> memref<10240x64xf32, #tpu.memory_space<vmem_shared>>
    %dma_wait3A_49 = tpu.memref_slice %arg12[%dma_wait3A_38] : memref<4x!tpu.dma_semaphore, #tpu.memory_space<semaphore_mem>> -> memref<1x!tpu.dma_semaphore, #tpu.memory_space<semaphore_mem>>
    %dma_wait3A_50 = tpu.memref_squeeze %dma_wait3A_49 : memref<1x!tpu.dma_semaphore, #tpu.memory_space<semaphore_mem>> -> memref<!tpu.dma_semaphore, #tpu.memory_space<semaphore_mem>>
    tpu.wait_indirect_dma semaphore(%dma_wait3A_50 : memref<!tpu.dma_semaphore, #tpu.memory_space<semaphore_mem>>) src(%dma_wait3A_42 : memref<128x64xf32, #tpu.memory_space<vmem>>) dst(%dma_wait3A_48 : memref<10240x64xf32, #tpu.memory_space<vmem_shared>>)
    %dma_wait3A_51 = arith.constant 3 : i32
    %dma_wait3A_52 = arith.constant 155 : i32
    %dma_wait3A_53 = arith.constant 3 : i32
    %dma_wait3A_54 = arith.constant 0 : i32
    %dma_wait3A_55 = arith.constant 0 : i32
    %dma_wait3A_56 = tpu.memref_slice %arg9[%dma_wait3A_51, %dma_wait3A_54, %dma_wait3A_55] : memref<4x128x64xf32, #tpu.memory_space<vmem>> -> memref<1x128x64xf32, #tpu.memory_space<vmem>>
    %dma_wait3A_57 = tpu.memref_squeeze %dma_wait3A_56 : memref<1x128x64xf32, #tpu.memory_space<vmem>> -> memref<128x64xf32, #tpu.memory_space<vmem>>
    %dma_wait3A_58 = arith.constant 0 : i32
    %dma_wait3A_59 = tpu.memref_slice %arg8[%dma_wait3A_52, %dma_wait3A_58] : memref<158x128xi32, #tpu.memory_space<vmem>> -> memref<1x128xi32, #tpu.memory_space<vmem>>
    %dma_wait3A_60 = tpu.memref_squeeze %dma_wait3A_59 : memref<1x128xi32, #tpu.memory_space<vmem>> -> memref<128xi32, #tpu.memory_space<vmem>>
    %dma_wait3A_61 = arith.constant 0 : i32
    %dma_wait3A_62 = arith.constant 0 : i32
    %dma_wait3A_63 = tpu.memref_slice %arg10[%dma_wait3A_61, %dma_wait3A_62] : memref<10240x64xf32, #tpu.memory_space<vmem_shared>> -> memref<10240x64xf32, #tpu.memory_space<vmem_shared>>
    %dma_wait3A_64 = tpu.memref_slice %arg12[%dma_wait3A_53] : memref<4x!tpu.dma_semaphore, #tpu.memory_space<semaphore_mem>> -> memref<1x!tpu.dma_semaphore, #tpu.memory_space<semaphore_mem>>
    %dma_wait3A_65 = tpu.memref_squeeze %dma_wait3A_64 : memref<1x!tpu.dma_semaphore, #tpu.memory_space<semaphore_mem>> -> memref<!tpu.dma_semaphore, #tpu.memory_space<semaphore_mem>>
    tpu.wait_indirect_dma semaphore(%dma_wait3A_65 : memref<!tpu.dma_semaphore, #tpu.memory_space<semaphore_mem>>) src(%dma_wait3A_57 : memref<128x64xf32, #tpu.memory_space<vmem>>) dst(%dma_wait3A_63 : memref<10240x64xf32, #tpu.memory_space<vmem_shared>>)
    %dma_wait3A_66 = arith.constant 0 : i32
    %dma_wait3A_67 = arith.constant 156 : i32
    %dma_wait3A_68 = arith.constant 0 : i32
    %dma_wait3A_69 = arith.constant 0 : i32
    %dma_wait3A_70 = arith.constant 0 : i32
    %dma_wait3A_71 = tpu.memref_slice %arg9[%dma_wait3A_66, %dma_wait3A_69, %dma_wait3A_70] : memref<4x128x64xf32, #tpu.memory_space<vmem>> -> memref<1x128x64xf32, #tpu.memory_space<vmem>>
    %dma_wait3A_72 = tpu.memref_squeeze %dma_wait3A_71 : memref<1x128x64xf32, #tpu.memory_space<vmem>> -> memref<128x64xf32, #tpu.memory_space<vmem>>
    %dma_wait3A_73 = arith.constant 0 : i32
    %dma_wait3A_74 = tpu.memref_slice %arg8[%dma_wait3A_67, %dma_wait3A_73] : memref<158x128xi32, #tpu.memory_space<vmem>> -> memref<1x128xi32, #tpu.memory_space<vmem>>
    %dma_wait3A_75 = tpu.memref_squeeze %dma_wait3A_74 : memref<1x128xi32, #tpu.memory_space<vmem>> -> memref<128xi32, #tpu.memory_space<vmem>>
    %dma_wait3A_76 = arith.constant 0 : i32
    %dma_wait3A_77 = arith.constant 0 : i32
    %dma_wait3A_78 = tpu.memref_slice %arg10[%dma_wait3A_76, %dma_wait3A_77] : memref<10240x64xf32, #tpu.memory_space<vmem_shared>> -> memref<10240x64xf32, #tpu.memory_space<vmem_shared>>
    %dma_wait3A_79 = tpu.memref_slice %arg12[%dma_wait3A_68] : memref<4x!tpu.dma_semaphore, #tpu.memory_space<semaphore_mem>> -> memref<1x!tpu.dma_semaphore, #tpu.memory_space<semaphore_mem>>
    %dma_wait3A_80 = tpu.memref_squeeze %dma_wait3A_79 : memref<1x!tpu.dma_semaphore, #tpu.memory_space<semaphore_mem>> -> memref<!tpu.dma_semaphore, #tpu.memory_space<semaphore_mem>>
    tpu.wait_indirect_dma semaphore(%dma_wait3A_80 : memref<!tpu.dma_semaphore, #tpu.memory_space<semaphore_mem>>) src(%dma_wait3A_72 : memref<128x64xf32, #tpu.memory_space<vmem>>) dst(%dma_wait3A_78 : memref<10240x64xf32, #tpu.memory_space<vmem_shared>>)
    %dma_wait3A_81 = arith.constant 1 : i32
    %dma_wait3A_82 = arith.constant 157 : i32
    %dma_wait3A_83 = arith.constant 1 : i32
    %dma_wait3A_84 = arith.constant 0 : i32
    %dma_wait3A_85 = arith.constant 0 : i32
    %dma_wait3A_86 = tpu.memref_slice %arg9[%dma_wait3A_81, %dma_wait3A_84, %dma_wait3A_85] : memref<4x128x64xf32, #tpu.memory_space<vmem>> -> memref<1x128x64xf32, #tpu.memory_space<vmem>>
    %dma_wait3A_87 = tpu.memref_squeeze %dma_wait3A_86 : memref<1x128x64xf32, #tpu.memory_space<vmem>> -> memref<128x64xf32, #tpu.memory_space<vmem>>
    %dma_wait3A_88 = arith.constant 0 : i32
    %dma_wait3A_89 = tpu.memref_slice %arg8[%dma_wait3A_82, %dma_wait3A_88] : memref<158x128xi32, #tpu.memory_space<vmem>> -> memref<1x128xi32, #tpu.memory_space<vmem>>
    %dma_wait3A_90 = tpu.memref_squeeze %dma_wait3A_89 : memref<1x128xi32, #tpu.memory_space<vmem>> -> memref<128xi32, #tpu.memory_space<vmem>>
    %dma_wait3A_91 = arith.constant 0 : i32
    %dma_wait3A_92 = arith.constant 0 : i32
    %dma_wait3A_93 = tpu.memref_slice %arg10[%dma_wait3A_91, %dma_wait3A_92] : memref<10240x64xf32, #tpu.memory_space<vmem_shared>> -> memref<10240x64xf32, #tpu.memory_space<vmem_shared>>
    %dma_wait3A_94 = tpu.memref_slice %arg12[%dma_wait3A_83] : memref<4x!tpu.dma_semaphore, #tpu.memory_space<semaphore_mem>> -> memref<1x!tpu.dma_semaphore, #tpu.memory_space<semaphore_mem>>
    %dma_wait3A_95 = tpu.memref_squeeze %dma_wait3A_94 : memref<1x!tpu.dma_semaphore, #tpu.memory_space<semaphore_mem>> -> memref<!tpu.dma_semaphore, #tpu.memory_space<semaphore_mem>>
    tpu.wait_indirect_dma semaphore(%dma_wait3A_95 : memref<!tpu.dma_semaphore, #tpu.memory_space<semaphore_mem>>) src(%dma_wait3A_87 : memref<128x64xf32, #tpu.memory_space<vmem>>) dst(%dma_wait3A_93 : memref<10240x64xf32, #tpu.memory_space<vmem_shared>>)
    %barrier3A_96 = arith.constant 0 : index
    tpu.barrier barrier_id(%barrier3A_96)
    %mul3A_97 = arith.constant 10240 : i32
    %mul3A_98 = arith.muli %arg0, %mul3A_97 : i32
    %mul3A_99 = arith.constant 640 : i32
    %mul3A_100 = arith.muli %arg1, %mul3A_99 : i32
    %add3A_101 = arith.addi %mul3A_98, %mul3A_100 : i32
    %mul3A_102 = arith.constant 640 : i32
    %mul3A_103 = arith.muli %arg1, %mul3A_102 : i32
    "tpu.region"() ({
      %run_scoped3A = tpu.sem_alloc : memref<!tpu.dma_semaphore, #tpu.memory_space<semaphore_mem>>
      %dma_start3A_104 = arith.constant 0 : i32
      %dma_start3A_105 = tpu.memref_slice %arg6[%add3A_101, %dma_start3A_104] : memref<20480x64xf32, #tpu.memory_space<hbm>> -> memref<640x64xf32, #tpu.memory_space<hbm>>
      %dma_start3A_106 = arith.constant 0 : i32
      %dma_start3A_107 = tpu.memref_slice %arg10[%mul3A_103, %dma_start3A_106] : memref<10240x64xf32, #tpu.memory_space<vmem_shared>> -> memref<640x64xf32, #tpu.memory_space<vmem_shared>>
      tpu.enqueue_dma source(%dma_start3A_107 : memref<640x64xf32, #tpu.memory_space<vmem_shared>>) target(%dma_start3A_105 : memref<640x64xf32, #tpu.memory_space<hbm>>) target_semaphore(%run_scoped3A : memref<!tpu.dma_semaphore, #tpu.memory_space<semaphore_mem>>)
      %dma_wait3A_108 = arith.constant 0 : i32
      %dma_wait3A_109 = tpu.memref_slice %arg6[%add3A_101, %dma_wait3A_108] : memref<20480x64xf32, #tpu.memory_space<hbm>> -> memref<640x64xf32, #tpu.memory_space<hbm>>
      %dma_wait3A_110 = arith.constant 0 : i32
      %dma_wait3A_111 = tpu.memref_slice %arg10[%mul3A_103, %dma_wait3A_110] : memref<10240x64xf32, #tpu.memory_space<vmem_shared>> -> memref<640x64xf32, #tpu.memory_space<vmem_shared>>
      tpu.wait_dma2 semaphore(%run_scoped3A : memref<!tpu.dma_semaphore, #tpu.memory_space<semaphore_mem>>) src(%dma_wait3A_111 : memref<640x64xf32, #tpu.memory_space<vmem_shared>>) dst(%dma_wait3A_109 : memref<640x64xf32, #tpu.memory_space<hbm>>)
      tpu.yield
    }) : () -> ()
    return
  }
}

module attributes {stable_mosaic.version = 14 : i64} {
  func.func @_embed_body(%arg0: memref<10000x40xf32, #tpu.memory_space<vmem>>, %arg1: memref<40x64xf32, #tpu.memory_space<vmem>>, %arg2: memref<1x64xf32, #tpu.memory_space<vmem>>, %arg3: memref<10000x64xf32, #tpu.memory_space<vmem>>) attributes {dimension_semantics = [], scalar_prefetch = 0 : i64, scratch_operands = 0 : i64, tpu.core_type = #tpu.core_type<tc>} {
    %get3A = arith.constant 0 : index
    %get3A_0 = arith.constant 0 : index
    %get3A_1 = vector.load %arg0[%get3A, %get3A_0] : memref<10000x40xf32, #tpu.memory_space<vmem>>, vector<10000x40xf32>
    %get3A_2 = arith.constant 0 : index
    %get3A_3 = arith.constant 0 : index
    %get3A_4 = vector.load %arg1[%get3A_2, %get3A_3] : memref<40x64xf32, #tpu.memory_space<vmem>>, vector<40x64xf32>
    %dot_general3A = arith.constant dense<0.000000e+00> : vector<10000x64xf32>
    %dot_general3A_5 = tpu.matmul %get3A_1, %get3A_4, %dot_general3A {dimension_numbers = #tpu.dot_dimension_numbers<[1], [0], [0], [1], [0, 0, 1, 1], [], []>, transpose_lhs_hint = false} : vector<10000x40xf32>, vector<40x64xf32>, vector<10000x64xf32> -> vector<10000x64xf32>
    %get3A_6 = arith.constant 0 : index
    %get3A_7 = arith.constant 0 : index
    %get3A_8 = vector.load %arg2[%get3A_6, %get3A_7] : memref<1x64xf32, #tpu.memory_space<vmem>>, vector<1x64xf32>
    %add3A = vector.broadcast %get3A_8 : vector<1x64xf32> to vector<10000x64xf32>
    %add3A_9 = arith.addf %dot_general3A_5, %add3A : vector<10000x64xf32>
    %max3A = arith.constant 0.000000e+00 : f32
    %max3A_10 = vector.broadcast %max3A : f32 to vector<10000x64xf32>
    %max3A_11 = arith.maximumf %add3A_9, %max3A_10 : vector<10000x64xf32>
    %swap3A = arith.constant 0 : index
    %swap3A_12 = arith.constant 0 : index
    %swap3A_13 = vector.load %arg3[%swap3A, %swap3A_12] : memref<10000x64xf32, #tpu.memory_space<vmem>>, vector<10000x64xf32>
    tpu.vector_store %arg3[%swap3A, %swap3A_12], %max3A_11 {strides = array<i32>} : memref<10000x64xf32, #tpu.memory_space<vmem>>, vector<10000x64xf32>,
    return
  }
}

module attributes {stable_mosaic.version = 14 : i64} {
  func.func @_layer_body(%arg0: memref<10000x64xf32, #tpu.memory_space<vmem>>, %arg1: memref<10000x64xf32, #tpu.memory_space<vmem>>, %arg2: memref<64x64xf32, #tpu.memory_space<vmem>>, %arg3: memref<1x64xf32, #tpu.memory_space<vmem>>, %arg4: memref<1x64xf32, #tpu.memory_space<vmem>>, %arg5: memref<1x64xf32, #tpu.memory_space<vmem>>, %arg6: memref<10000x64xf32, #tpu.memory_space<vmem>>) attributes {dimension_semantics = [], scalar_prefetch = 0 : i64, scratch_operands = 0 : i64, tpu.core_type = #tpu.core_type<tc>} {
    %get3A = arith.constant 0 : index
    %get3A_0 = arith.constant 0 : index
    %get3A_1 = vector.load %arg0[%get3A, %get3A_0] : memref<10000x64xf32, #tpu.memory_space<vmem>>, vector<10000x64xf32>
    %get3A_2 = arith.constant 0 : index
    %get3A_3 = arith.constant 0 : index
    %get3A_4 = vector.load %arg1[%get3A_2, %get3A_3] : memref<10000x64xf32, #tpu.memory_space<vmem>>, vector<10000x64xf32>
    %add3A = arith.addf %get3A_1, %get3A_4 : vector<10000x64xf32>
    %get3A_5 = arith.constant 0 : index
    %get3A_6 = arith.constant 0 : index
    %get3A_7 = vector.load %arg2[%get3A_5, %get3A_6] : memref<64x64xf32, #tpu.memory_space<vmem>>, vector<64x64xf32>
    %dot_general3A = arith.constant dense<0.000000e+00> : vector<10000x64xf32>
    %dot_general3A_8 = tpu.matmul %add3A, %get3A_7, %dot_general3A {dimension_numbers = #tpu.dot_dimension_numbers<[1], [0], [0], [1], [0, 0, 1, 1], [], []>, transpose_lhs_hint = false} : vector<10000x64xf32>, vector<64x64xf32>, vector<10000x64xf32> -> vector<10000x64xf32>
    %get3A_9 = arith.constant 0 : index
    %get3A_10 = arith.constant 0 : index
    %get3A_11 = vector.load %arg3[%get3A_9, %get3A_10] : memref<1x64xf32, #tpu.memory_space<vmem>>, vector<1x64xf32>
    %add3A_12 = vector.broadcast %get3A_11 : vector<1x64xf32> to vector<10000x64xf32>
    %add3A_13 = arith.addf %dot_general3A_8, %add3A_12 : vector<10000x64xf32>
    %reduce_sum3A = arith.constant dense<0.000000e+00> : vector<64xf32>
    %reduce_sum3A_14 = vector.multi_reduction <add>, %add3A_13, %reduce_sum3A [0] : vector<10000x64xf32> to vector<64xf32>
    %broadcast_in_dim3A = vector.shape_cast %reduce_sum3A_14 : vector<64xf32> to vector<1x64xf32>
    %div3A = arith.constant 1.000000e+04 : f32
    %div3A_15 = vector.broadcast %div3A : f32 to vector<1x64xf32>
    %div3A_16 = arith.divf %broadcast_in_dim3A, %div3A_15 : vector<1x64xf32>
    %sub3A = vector.broadcast %div3A_16 : vector<1x64xf32> to vector<10000x64xf32>
    %sub3A_17 = arith.subf %add3A_13, %sub3A : vector<10000x64xf32>
    %mul3A = arith.mulf %sub3A_17, %sub3A_17 : vector<10000x64xf32>
    %reduce_sum3A_18 = arith.constant dense<0.000000e+00> : vector<64xf32>
    %reduce_sum3A_19 = vector.multi_reduction <add>, %mul3A, %reduce_sum3A_18 [0] : vector<10000x64xf32> to vector<64xf32>
    %broadcast_in_dim3A_20 = vector.shape_cast %reduce_sum3A_19 : vector<64xf32> to vector<1x64xf32>
    %div3A_21 = arith.constant 1.000000e+04 : f32
    %div3A_22 = vector.broadcast %div3A_21 : f32 to vector<1x64xf32>
    %div3A_23 = arith.divf %broadcast_in_dim3A_20, %div3A_22 : vector<1x64xf32>
    %add3A_24 = arith.constant 9.99999974E-6 : f32
    %add3A_25 = vector.broadcast %add3A_24 : f32 to vector<1x64xf32>
    %add3A_26 = arith.addf %div3A_23, %add3A_25 : vector<1x64xf32>
    %sqrt3A = math.sqrt %add3A_26 : vector<1x64xf32>
    %div3A_27 = arith.constant 1.000000e+00 : f32
    %div3A_28 = vector.broadcast %div3A_27 : f32 to vector<1x64xf32>
    %div3A_29 = arith.divf %div3A_28, %sqrt3A : vector<1x64xf32>
    %mul3A_30 = vector.broadcast %div3A_29 : vector<1x64xf32> to vector<10000x64xf32>
    %mul3A_31 = arith.mulf %sub3A_17, %mul3A_30 : vector<10000x64xf32>
    %get3A_32 = arith.constant 0 : index
    %get3A_33 = arith.constant 0 : index
    %get3A_34 = vector.load %arg4[%get3A_32, %get3A_33] : memref<1x64xf32, #tpu.memory_space<vmem>>, vector<1x64xf32>
    %mul3A_35 = vector.broadcast %get3A_34 : vector<1x64xf32> to vector<10000x64xf32>
    %mul3A_36 = arith.mulf %mul3A_31, %mul3A_35 : vector<10000x64xf32>
    %get3A_37 = arith.constant 0 : index
    %get3A_38 = arith.constant 0 : index
    %get3A_39 = vector.load %arg5[%get3A_37, %get3A_38] : memref<1x64xf32, #tpu.memory_space<vmem>>, vector<1x64xf32>
    %add3A_40 = vector.broadcast %get3A_39 : vector<1x64xf32> to vector<10000x64xf32>
    %add3A_41 = arith.addf %mul3A_36, %add3A_40 : vector<10000x64xf32>
    %max3A = arith.constant 0.000000e+00 : f32
    %max3A_42 = vector.broadcast %max3A : f32 to vector<10000x64xf32>
    %max3A_43 = arith.maximumf %add3A_41, %max3A_42 : vector<10000x64xf32>
    %swap3A = arith.constant 0 : index
    %swap3A_44 = arith.constant 0 : index
    %swap3A_45 = vector.load %arg6[%swap3A, %swap3A_44] : memref<10000x64xf32, #tpu.memory_space<vmem>>, vector<10000x64xf32>
    tpu.vector_store %arg6[%swap3A, %swap3A_44], %max3A_43 {strides = array<i32>} : memref<10000x64xf32, #tpu.memory_space<vmem>>, vector<10000x64xf32>,
    return
  }
}

module attributes {stable_mosaic.version = 14 : i64} {
  func.func @_solvent_body(%arg0: memref<2560x40xf32, #tpu.memory_space<vmem>>, %arg1: memref<40x64xf32, #tpu.memory_space<vmem>>, %arg2: memref<1x64xf32, #tpu.memory_space<vmem>>, %arg3: memref<64x64xf32, #tpu.memory_space<vmem>>, %arg4: memref<1x64xf32, #tpu.memory_space<vmem>>, %arg5: memref<2560x64xf32, #tpu.memory_space<vmem>>) attributes {dimension_semantics = [], scalar_prefetch = 0 : i64, scratch_operands = 0 : i64, tpu.core_type = #tpu.core_type<tc>} {
    %get3A = arith.constant 0 : index
    %get3A_0 = arith.constant 0 : index
    %get3A_1 = vector.load %arg0[%get3A, %get3A_0] : memref<2560x40xf32, #tpu.memory_space<vmem>>, vector<2560x40xf32>
    %get3A_2 = arith.constant 0 : index
    %get3A_3 = arith.constant 0 : index
    %get3A_4 = vector.load %arg1[%get3A_2, %get3A_3] : memref<40x64xf32, #tpu.memory_space<vmem>>, vector<40x64xf32>
    %dot_general3A = arith.constant dense<0.000000e+00> : vector<2560x64xf32>
    %dot_general3A_5 = tpu.matmul %get3A_1, %get3A_4, %dot_general3A {dimension_numbers = #tpu.dot_dimension_numbers<[1], [0], [0], [1], [0, 0, 1, 1], [], []>, transpose_lhs_hint = false} : vector<2560x40xf32>, vector<40x64xf32>, vector<2560x64xf32> -> vector<2560x64xf32>
    %get3A_6 = arith.constant 0 : index
    %get3A_7 = arith.constant 0 : index
    %get3A_8 = vector.load %arg2[%get3A_6, %get3A_7] : memref<1x64xf32, #tpu.memory_space<vmem>>, vector<1x64xf32>
    %add3A = vector.broadcast %get3A_8 : vector<1x64xf32> to vector<2560x64xf32>
    %add3A_9 = arith.addf %dot_general3A_5, %add3A : vector<2560x64xf32>
    %max3A = arith.constant 0.000000e+00 : f32
    %max3A_10 = vector.broadcast %max3A : f32 to vector<2560x64xf32>
    %max3A_11 = arith.maximumf %add3A_9, %max3A_10 : vector<2560x64xf32>
    %get3A_12 = arith.constant 0 : index
    %get3A_13 = arith.constant 0 : index
    %get3A_14 = vector.load %arg3[%get3A_12, %get3A_13] : memref<64x64xf32, #tpu.memory_space<vmem>>, vector<64x64xf32>
    %dot_general3A_15 = arith.constant dense<0.000000e+00> : vector<2560x64xf32>
    %dot_general3A_16 = tpu.matmul %max3A_11, %get3A_14, %dot_general3A_15 {dimension_numbers = #tpu.dot_dimension_numbers<[1], [0], [0], [1], [0, 0, 1, 1], [], []>, transpose_lhs_hint = false} : vector<2560x64xf32>, vector<64x64xf32>, vector<2560x64xf32> -> vector<2560x64xf32>
    %get3A_17 = arith.constant 0 : index
    %get3A_18 = arith.constant 0 : index
    %get3A_19 = vector.load %arg4[%get3A_17, %get3A_18] : memref<1x64xf32, #tpu.memory_space<vmem>>, vector<1x64xf32>
    %add3A_20 = vector.broadcast %get3A_19 : vector<1x64xf32> to vector<2560x64xf32>
    %add3A_21 = arith.addf %dot_general3A_16, %add3A_20 : vector<2560x64xf32>
    %swap3A = arith.constant 0 : index
    %swap3A_22 = arith.constant 0 : index
    %swap3A_23 = vector.load %arg5[%swap3A, %swap3A_22] : memref<2560x64xf32, #tpu.memory_space<vmem>>, vector<2560x64xf32>
    tpu.vector_store %arg5[%swap3A, %swap3A_22], %add3A_21 {strides = array<i32>} : memref<2560x64xf32, #tpu.memory_space<vmem>>, vector<2560x64xf32>,
    return
  }
}

module attributes {stable_mosaic.version = 14 : i64} {
  func.func @_layer_body(%arg0: memref<10000x64xf32, #tpu.memory_space<vmem>>, %arg1: memref<10000x64xf32, #tpu.memory_space<vmem>>, %arg2: memref<64x64xf32, #tpu.memory_space<vmem>>, %arg3: memref<1x64xf32, #tpu.memory_space<vmem>>, %arg4: memref<1x64xf32, #tpu.memory_space<vmem>>, %arg5: memref<1x64xf32, #tpu.memory_space<vmem>>, %arg6: memref<10000x64xf32, #tpu.memory_space<vmem>>) attributes {dimension_semantics = [], scalar_prefetch = 0 : i64, scratch_operands = 0 : i64, tpu.core_type = #tpu.core_type<tc>} {
    %get3A = arith.constant 0 : index
    %get3A_0 = arith.constant 0 : index
    %get3A_1 = vector.load %arg0[%get3A, %get3A_0] : memref<10000x64xf32, #tpu.memory_space<vmem>>, vector<10000x64xf32>
    %get3A_2 = arith.constant 0 : index
    %get3A_3 = arith.constant 0 : index
    %get3A_4 = vector.load %arg1[%get3A_2, %get3A_3] : memref<10000x64xf32, #tpu.memory_space<vmem>>, vector<10000x64xf32>
    %add3A = arith.addf %get3A_1, %get3A_4 : vector<10000x64xf32>
    %get3A_5 = arith.constant 0 : index
    %get3A_6 = arith.constant 0 : index
    %get3A_7 = vector.load %arg2[%get3A_5, %get3A_6] : memref<64x64xf32, #tpu.memory_space<vmem>>, vector<64x64xf32>
    %dot_general3A = arith.constant dense<0.000000e+00> : vector<10000x64xf32>
    %dot_general3A_8 = tpu.matmul %add3A, %get3A_7, %dot_general3A {dimension_numbers = #tpu.dot_dimension_numbers<[1], [0], [0], [1], [0, 0, 1, 1], [], []>, transpose_lhs_hint = false} : vector<10000x64xf32>, vector<64x64xf32>, vector<10000x64xf32> -> vector<10000x64xf32>
    %get3A_9 = arith.constant 0 : index
    %get3A_10 = arith.constant 0 : index
    %get3A_11 = vector.load %arg3[%get3A_9, %get3A_10] : memref<1x64xf32, #tpu.memory_space<vmem>>, vector<1x64xf32>
    %add3A_12 = vector.broadcast %get3A_11 : vector<1x64xf32> to vector<10000x64xf32>
    %add3A_13 = arith.addf %dot_general3A_8, %add3A_12 : vector<10000x64xf32>
    %reduce_sum3A = arith.constant dense<0.000000e+00> : vector<64xf32>
    %reduce_sum3A_14 = vector.multi_reduction <add>, %add3A_13, %reduce_sum3A [0] : vector<10000x64xf32> to vector<64xf32>
    %broadcast_in_dim3A = vector.shape_cast %reduce_sum3A_14 : vector<64xf32> to vector<1x64xf32>
    %div3A = arith.constant 1.000000e+04 : f32
    %div3A_15 = vector.broadcast %div3A : f32 to vector<1x64xf32>
    %div3A_16 = arith.divf %broadcast_in_dim3A, %div3A_15 : vector<1x64xf32>
    %sub3A = vector.broadcast %div3A_16 : vector<1x64xf32> to vector<10000x64xf32>
    %sub3A_17 = arith.subf %add3A_13, %sub3A : vector<10000x64xf32>
    %mul3A = arith.mulf %sub3A_17, %sub3A_17 : vector<10000x64xf32>
    %reduce_sum3A_18 = arith.constant dense<0.000000e+00> : vector<64xf32>
    %reduce_sum3A_19 = vector.multi_reduction <add>, %mul3A, %reduce_sum3A_18 [0] : vector<10000x64xf32> to vector<64xf32>
    %broadcast_in_dim3A_20 = vector.shape_cast %reduce_sum3A_19 : vector<64xf32> to vector<1x64xf32>
    %div3A_21 = arith.constant 1.000000e+04 : f32
    %div3A_22 = vector.broadcast %div3A_21 : f32 to vector<1x64xf32>
    %div3A_23 = arith.divf %broadcast_in_dim3A_20, %div3A_22 : vector<1x64xf32>
    %add3A_24 = arith.constant 9.99999974E-6 : f32
    %add3A_25 = vector.broadcast %add3A_24 : f32 to vector<1x64xf32>
    %add3A_26 = arith.addf %div3A_23, %add3A_25 : vector<1x64xf32>
    %sqrt3A = math.sqrt %add3A_26 : vector<1x64xf32>
    %div3A_27 = arith.constant 1.000000e+00 : f32
    %div3A_28 = vector.broadcast %div3A_27 : f32 to vector<1x64xf32>
    %div3A_29 = arith.divf %div3A_28, %sqrt3A : vector<1x64xf32>
    %mul3A_30 = vector.broadcast %div3A_29 : vector<1x64xf32> to vector<10000x64xf32>
    %mul3A_31 = arith.mulf %sub3A_17, %mul3A_30 : vector<10000x64xf32>
    %get3A_32 = arith.constant 0 : index
    %get3A_33 = arith.constant 0 : index
    %get3A_34 = vector.load %arg4[%get3A_32, %get3A_33] : memref<1x64xf32, #tpu.memory_space<vmem>>, vector<1x64xf32>
    %mul3A_35 = vector.broadcast %get3A_34 : vector<1x64xf32> to vector<10000x64xf32>
    %mul3A_36 = arith.mulf %mul3A_31, %mul3A_35 : vector<10000x64xf32>
    %get3A_37 = arith.constant 0 : index
    %get3A_38 = arith.constant 0 : index
    %get3A_39 = vector.load %arg5[%get3A_37, %get3A_38] : memref<1x64xf32, #tpu.memory_space<vmem>>, vector<1x64xf32>
    %add3A_40 = vector.broadcast %get3A_39 : vector<1x64xf32> to vector<10000x64xf32>
    %add3A_41 = arith.addf %mul3A_36, %add3A_40 : vector<10000x64xf32>
    %swap3A = arith.constant 0 : index
    %swap3A_42 = arith.constant 0 : index
    %swap3A_43 = vector.load %arg6[%swap3A, %swap3A_42] : memref<10000x64xf32, #tpu.memory_space<vmem>>, vector<10000x64xf32>
    tpu.vector_store %arg6[%swap3A, %swap3A_42], %add3A_41 {strides = array<i32>} : memref<10000x64xf32, #tpu.memory_space<vmem>>, vector<10000x64xf32>,
    return
  }
}

module attributes {stable_mosaic.version = 14 : i64} {
  func.func @_interact_body(%arg0: i32, %arg1: memref<400x64xf32, #tpu.memory_space<vmem>>, %arg2: memref<2560x64xf32, #tpu.memory_space<vmem>>, %arg3: memref<400x1xf32, #tpu.memory_space<vmem>>, %arg4: memref<2560x1xf32, #tpu.memory_space<vmem>>, %arg5: memref<128x64xf32, #tpu.memory_space<vmem>>, %arg6: memref<1x64xf32, #tpu.memory_space<vmem>>, %arg7: memref<64x32xf32, #tpu.memory_space<vmem>>, %arg8: memref<1x32xf32, #tpu.memory_space<vmem>>, %arg9: memref<32x16xf32, #tpu.memory_space<vmem>>, %arg10: memref<1x16xf32, #tpu.memory_space<vmem>>, %arg11: memref<16x1xf32, #tpu.memory_space<vmem>>, %arg12: memref<1x1xf32, #tpu.memory_space<vmem>>, %arg13: memref<128x1xf32, #tpu.memory_space<vmem>>, %arg14: memref<128x64xf32, #tpu.memory_space<vmem>>, %arg15: memref<128x1xf32, #tpu.memory_space<vmem>>, %arg16: memref<2560x64xf32, #tpu.memory_space<vmem>>) attributes {dimension_semantics = [#tpu.dimension_semantics<arbitrary>], iteration_bounds = array<i64: 25>, scalar_prefetch = 0 : i64, scratch_operands = 3 : i64, tpu.core_type = #tpu.core_type<tc>, window_params = [{transform_indices = @transform_0, window_bounds = array<i64: 400, 64>}, {pipeline_mode = #tpu.pipeline_mode<synchronous>, transform_indices = @transform_1, window_bounds = array<i64: 2560, 64>}, {transform_indices = @transform_2, window_bounds = array<i64: 400, 1>}, {pipeline_mode = #tpu.pipeline_mode<synchronous>, transform_indices = @transform_3, window_bounds = array<i64: 2560, 1>}, {pipeline_mode = #tpu.pipeline_mode<synchronous>, transform_indices = @transform_4, window_bounds = array<i64: 128, 64>}, {pipeline_mode = #tpu.pipeline_mode<synchronous>, transform_indices = @transform_5, window_bounds = array<i64: 1, 64>}, {pipeline_mode = #tpu.pipeline_mode<synchronous>, transform_indices = @transform_6, window_bounds = array<i64: 64, 32>}, {pipeline_mode = #tpu.pipeline_mode<synchronous>, transform_indices = @transform_7, window_bounds = array<i64: 1, 32>}, {pipeline_mode = #tpu.pipeline_mode<synchronous>, transform_indices = @transform_8, window_bounds = array<i64: 32, 16>}, {pipeline_mode = #tpu.pipeline_mode<synchronous>, transform_indices = @transform_9, window_bounds = array<i64: 1, 16>}, {pipeline_mode = #tpu.pipeline_mode<synchronous>, transform_indices = @transform_10, window_bounds = array<i64: 16, 1>}, {pipeline_mode = #tpu.pipeline_mode<synchronous>, transform_indices = @transform_11, window_bounds = array<i64: 1, 1>}, {pipeline_mode = #tpu.pipeline_mode<synchronous>, transform_indices = @transform_12, window_bounds = array<i64: 128, 1>}]} {
    %get3A = arith.constant 0 : index
    %get3A_0 = arith.constant 0 : index
    %get3A_1 = vector.load %arg2[%get3A, %get3A_0] : memref<2560x64xf32, #tpu.memory_space<vmem>>, vector<2560x64xf32>
    %eq3A = arith.constant 0 : i32
    %eq3A_2 = arith.cmpi eq, %arg0, %eq3A : i32
    %convert_element_type3A = arith.extui %eq3A_2 : i1 to i32
    %cond3A = arith.constant 0 : i32
    %cond3A_3 = arith.cmpi ne, %convert_element_type3A, %cond3A : i32
    scf.if %cond3A_3 {
      %broadcast_in_dim3A_58 = arith.constant 0.000000e+00 : f32
      %broadcast_in_dim3A_59 = vector.broadcast %broadcast_in_dim3A_58 : f32 to vector<128x64xf32>
      %swap3A_60 = arith.constant 0 : index
      %swap3A_61 = arith.constant 0 : index
      %swap3A_62 = vector.load %arg14[%swap3A_60, %swap3A_61] : memref<128x64xf32, #tpu.memory_space<vmem>>, vector<128x64xf32>
      tpu.vector_store %arg14[%swap3A_60, %swap3A_61], %broadcast_in_dim3A_59 {strides = array<i32>} : memref<128x64xf32, #tpu.memory_space<vmem>>, vector<128x64xf32>,
      %broadcast_in_dim3A_63 = arith.constant 0.000000e+00 : f32
      %broadcast_in_dim3A_64 = vector.broadcast %broadcast_in_dim3A_63 : f32 to vector<128x1xf32>
      %swap3A_65 = arith.constant 0 : index
      %swap3A_66 = arith.constant 0 : index
      %swap3A_67 = vector.load %arg15[%swap3A_65, %swap3A_66] : memref<128x1xf32, #tpu.memory_space<vmem>>, vector<128x1xf32>
      tpu.vector_store %arg15[%swap3A_65, %swap3A_66], %broadcast_in_dim3A_64 {strides = array<i32>} : memref<128x1xf32, #tpu.memory_space<vmem>>, vector<128x1xf32>,
      %broadcast_in_dim3A_68 = arith.constant 0.000000e+00 : f32
      %broadcast_in_dim3A_69 = vector.broadcast %broadcast_in_dim3A_68 : f32 to vector<2560x64xf32>
      %swap3A_70 = arith.constant 0 : index
      %swap3A_71 = arith.constant 0 : index
      %swap3A_72 = vector.load %arg16[%swap3A_70, %swap3A_71] : memref<2560x64xf32, #tpu.memory_space<vmem>>, vector<2560x64xf32>
      tpu.vector_store %arg16[%swap3A_70, %swap3A_71], %broadcast_in_dim3A_69 {strides = array<i32>} : memref<2560x64xf32, #tpu.memory_space<vmem>>, vector<2560x64xf32>,
    } else {
    }
    %get3A_4 = arith.constant 0 : index
    %get3A_5 = arith.constant 0 : index
    %get3A_6 = vector.load %arg1[%get3A_4, %get3A_5] : memref<400x64xf32, #tpu.memory_space<vmem>>, vector<400x64xf32>
    %get3A_7 = arith.constant 0 : index
    %get3A_8 = arith.constant 0 : index
    %get3A_9 = vector.load %arg3[%get3A_7, %get3A_8] : memref<400x1xf32, #tpu.memory_space<vmem>>, vector<400x1xf32>
    %get3A_10 = arith.constant 0 : index
    %get3A_11 = arith.constant 0 : index
    %get3A_12 = vector.load %arg4[%get3A_10, %get3A_11] : memref<2560x1xf32, #tpu.memory_space<vmem>>, vector<2560x1xf32>
    %reshape3A = vector.shape_cast %get3A_12 : vector<2560x1xf32> to vector<1x2560xf32>
    %eq3A_13 = vector.broadcast %get3A_9 : vector<400x1xf32> to vector<400x2560xf32>
    %eq3A_14 = vector.broadcast %reshape3A : vector<1x2560xf32> to vector<400x2560xf32>
    %eq3A_15 = arith.cmpf oeq, %eq3A_13, %eq3A_14 : vector<400x2560xf32>
    %convert_element_type3A_16 = arith.extui %eq3A_15 : vector<400x2560xi1> to vector<400x2560xi32>
    %convert_element_type3A_17 = arith.sitofp %convert_element_type3A_16 : vector<400x2560xi32> to vector<400x2560xf32>
    %dot_general3A = arith.constant dense<0.000000e+00> : vector<400x2560xf32>
    %dot_general3A_18 = tpu.matmul %get3A_6, %get3A_1, %dot_general3A {dimension_numbers = #tpu.dot_dimension_numbers<[1], [1], [0], [0], [0, 0, 1, 0], [], []>, transpose_lhs_hint = false} : vector<400x64xf32>, vector<2560x64xf32>, vector<400x2560xf32> -> vector<400x2560xf32>
    %mul3A = arith.mulf %dot_general3A_18, %convert_element_type3A_17 : vector<400x2560xf32>
    %dot_general3A_19 = arith.constant dense<0.000000e+00> : vector<400x64xf32>
    %dot_general3A_20 = tpu.matmul %mul3A, %get3A_1, %dot_general3A_19 {dimension_numbers = #tpu.dot_dimension_numbers<[1], [0], [0], [1], [0, 0, 1, 1], [], []>, transpose_lhs_hint = false} : vector<400x2560xf32>, vector<2560x64xf32>, vector<400x64xf32> -> vector<400x64xf32>
    %add3A = arith.addf %get3A_6, %dot_general3A_20 : vector<400x64xf32>
    %iota3A = tpu.iota {dimensions = array<i32: 0>} : vector<128x1xi32>
    %convert_element_type3A_21 = arith.sitofp %iota3A : vector<128x1xi32> to vector<128x1xf32>
    %reshape3A_22 = vector.shape_cast %get3A_9 : vector<400x1xf32> to vector<1x400xf32>
    %eq3A_23 = vector.broadcast %convert_element_type3A_21 : vector<128x1xf32> to vector<128x400xf32>
    %eq3A_24 = vector.broadcast %reshape3A_22 : vector<1x400xf32> to vector<128x400xf32>
    %eq3A_25 = arith.cmpf oeq, %eq3A_23, %eq3A_24 : vector<128x400xf32>
    %convert_element_type3A_26 = arith.extui %eq3A_25 : vector<128x400xi1> to vector<128x400xi32>
    %convert_element_type3A_27 = arith.sitofp %convert_element_type3A_26 : vector<128x400xi32> to vector<128x400xf32>
    %get3A_28 = arith.constant 0 : index
    %get3A_29 = arith.constant 0 : index
    %get3A_30 = vector.load %arg14[%get3A_28, %get3A_29] : memref<128x64xf32, #tpu.memory_space<vmem>>, vector<128x64xf32>
    %dot_general3A_31 = arith.constant dense<0.000000e+00> : vector<128x64xf32>
    %dot_general3A_32 = tpu.matmul %convert_element_type3A_27, %add3A, %dot_general3A_31 {dimension_numbers = #tpu.dot_dimension_numbers<[1], [0], [0], [1], [0, 0, 1, 1], [], []>, precision = #tpu.contract_precision<fp32>, transpose_lhs_hint = false} : vector<128x400xf32>, vector<400x64xf32>, vector<128x64xf32> -> vector<128x64xf32>
    %add3A_33 = arith.addf %get3A_30, %dot_general3A_32 : vector<128x64xf32>
    %swap3A = arith.constant 0 : index
    %swap3A_34 = arith.constant 0 : index
    %swap3A_35 = vector.load %arg14[%swap3A, %swap3A_34] : memref<128x64xf32, #tpu.memory_space<vmem>>, vector<128x64xf32>
    tpu.vector_store %arg14[%swap3A, %swap3A_34], %add3A_33 {strides = array<i32>} : memref<128x64xf32, #tpu.memory_space<vmem>>, vector<128x64xf32>,
    %get3A_36 = arith.constant 0 : index
    %get3A_37 = arith.constant 0 : index
    %get3A_38 = vector.load %arg15[%get3A_36, %get3A_37] : memref<128x1xf32, #tpu.memory_space<vmem>>, vector<128x1xf32>
    %reduce_sum3A = arith.constant dense<0.000000e+00> : vector<128xf32>
    %reduce_sum3A_39 = vector.multi_reduction <add>, %convert_element_type3A_27, %reduce_sum3A [1] : vector<128x400xf32> to vector<128xf32>
    %broadcast_in_dim3A = vector.shape_cast %reduce_sum3A_39 : vector<128xf32> to vector<128x1xf32>
    %add3A_40 = arith.addf %get3A_38, %broadcast_in_dim3A : vector<128x1xf32>
    %swap3A_41 = arith.constant 0 : index
    %swap3A_42 = arith.constant 0 : index
    %swap3A_43 = vector.load %arg15[%swap3A_41, %swap3A_42] : memref<128x1xf32, #tpu.memory_space<vmem>>, vector<128x1xf32>
    tpu.vector_store %arg15[%swap3A_41, %swap3A_42], %add3A_40 {strides = array<i32>} : memref<128x1xf32, #tpu.memory_space<vmem>>, vector<128x1xf32>,
    %get3A_44 = arith.constant 0 : index
    %get3A_45 = arith.constant 0 : index
    %get3A_46 = vector.load %arg16[%get3A_44, %get3A_45] : memref<2560x64xf32, #tpu.memory_space<vmem>>, vector<2560x64xf32>
    %dot_general3A_47 = arith.constant dense<0.000000e+00> : vector<2560x64xf32>
    %dot_general3A_48 = tpu.matmul %mul3A, %get3A_6, %dot_general3A_47 {dimension_numbers = #tpu.dot_dimension_numbers<[0], [0], [1], [1], [0, 1, 1, 1], [], []>, transpose_lhs_hint = false} : vector<400x2560xf32>, vector<400x64xf32>, vector<2560x64xf32> -> vector<2560x64xf32>
    %add3A_49 = arith.addf %get3A_46, %dot_general3A_48 : vector<2560x64xf32>
    %swap3A_50 = arith.constant 0 : index
    %swap3A_51 = arith.constant 0 : index
    %swap3A_52 = vector.load %arg16[%swap3A_50, %swap3A_51] : memref<2560x64xf32, #tpu.memory_space<vmem>>, vector<2560x64xf32>
    tpu.vector_store %arg16[%swap3A_50, %swap3A_51], %add3A_49 {strides = array<i32>} : memref<2560x64xf32, #tpu.memory_space<vmem>>, vector<2560x64xf32>,
    %eq3A_53 = arith.constant 24 : i32
    %eq3A_54 = arith.cmpi eq, %arg0, %eq3A_53 : i32
    %convert_element_type3A_55 = arith.extui %eq3A_54 : i1 to i32
    %cond3A_56 = arith.constant 0 : i32
    %cond3A_57 = arith.cmpi ne, %convert_element_type3A_55, %cond3A_56 : i32
    scf.if %cond3A_57 {
      %get3A_58 = arith.constant 0 : index
      %get3A_59 = arith.constant 0 : index
      %get3A_60 = vector.load %arg16[%get3A_58, %get3A_59] : memref<2560x64xf32, #tpu.memory_space<vmem>>, vector<2560x64xf32>
      %add3A_61 = arith.addf %get3A_1, %get3A_60 : vector<2560x64xf32>
      %get3A_62 = arith.constant 0 : index
      %get3A_63 = arith.constant 0 : index
      %get3A_64 = vector.load %arg4[%get3A_62, %get3A_63] : memref<2560x1xf32, #tpu.memory_space<vmem>>, vector<2560x1xf32>
      %reshape3A_65 = vector.shape_cast %get3A_64 : vector<2560x1xf32> to vector<1x2560xf32>
      %eq3A_66 = vector.broadcast %convert_element_type3A_21 : vector<128x1xf32> to vector<128x2560xf32>
      %eq3A_67 = vector.broadcast %reshape3A_65 : vector<1x2560xf32> to vector<128x2560xf32>
      %eq3A_68 = arith.cmpf oeq, %eq3A_66, %eq3A_67 : vector<128x2560xf32>
      %convert_element_type3A_69 = arith.extui %eq3A_68 : vector<128x2560xi1> to vector<128x2560xi32>
      %convert_element_type3A_70 = arith.sitofp %convert_element_type3A_69 : vector<128x2560xi32> to vector<128x2560xf32>
      %dot_general3A_71 = arith.constant dense<0.000000e+00> : vector<128x64xf32>
      %dot_general3A_72 = tpu.matmul %convert_element_type3A_70, %add3A_61, %dot_general3A_71 {dimension_numbers = #tpu.dot_dimension_numbers<[1], [0], [0], [1], [0, 0, 1, 1], [], []>, precision = #tpu.contract_precision<fp32>, transpose_lhs_hint = false} : vector<128x2560xf32>, vector<2560x64xf32>, vector<128x64xf32> -> vector<128x64xf32>
      %reduce_sum3A_73 = arith.constant dense<0.000000e+00> : vector<128xf32>
      %reduce_sum3A_74 = vector.multi_reduction <add>, %convert_element_type3A_70, %reduce_sum3A_73 [1] : vector<128x2560xf32> to vector<128xf32>
      %broadcast_in_dim3A_75 = vector.shape_cast %reduce_sum3A_74 : vector<128xf32> to vector<128x1xf32>
      %get3A_76 = arith.constant 0 : index
      %get3A_77 = arith.constant 0 : index
      %get3A_78 = vector.load %arg14[%get3A_76, %get3A_77] : memref<128x64xf32, #tpu.memory_space<vmem>>, vector<128x64xf32>
      %get3A_79 = arith.constant 0 : index
      %get3A_80 = arith.constant 0 : index
      %get3A_81 = vector.load %arg15[%get3A_79, %get3A_80] : memref<128x1xf32, #tpu.memory_space<vmem>>, vector<128x1xf32>
      %max3A = arith.constant 1.000000e+00 : f32
      %max3A_82 = vector.broadcast %max3A : f32 to vector<128x1xf32>
      %max3A_83 = arith.maximumf %get3A_81, %max3A_82 : vector<128x1xf32>
      %div3A = vector.broadcast %max3A_83 : vector<128x1xf32> to vector<128x64xf32>
      %div3A_84 = arith.divf %get3A_78, %div3A : vector<128x64xf32>
      %max3A_85 = arith.constant 1.000000e+00 : f32
      %max3A_86 = vector.broadcast %max3A_85 : f32 to vector<128x1xf32>
      %max3A_87 = arith.maximumf %broadcast_in_dim3A_75, %max3A_86 : vector<128x1xf32>
      %div3A_88 = vector.broadcast %max3A_87 : vector<128x1xf32> to vector<128x64xf32>
      %div3A_89 = arith.divf %dot_general3A_72, %div3A_88 : vector<128x64xf32>
      %concatenate3A = tpu.concatenate %div3A_84, %div3A_89 in 1 : vector<128x64xf32>, vector<128x64xf32> -> vector<128x128xf32>
      %get3A_90 = arith.constant 0 : index
      %get3A_91 = arith.constant 0 : index
      %get3A_92 = vector.load %arg5[%get3A_90, %get3A_91] : memref<128x64xf32, #tpu.memory_space<vmem>>, vector<128x64xf32>
      %dot_general3A_93 = arith.constant dense<0.000000e+00> : vector<128x64xf32>
      %dot_general3A_94 = tpu.matmul %concatenate3A, %get3A_92, %dot_general3A_93 {dimension_numbers = #tpu.dot_dimension_numbers<[1], [0], [0], [1], [0, 0, 1, 1], [], []>, transpose_lhs_hint = false} : vector<128x128xf32>, vector<128x64xf32>, vector<128x64xf32> -> vector<128x64xf32>
      %get3A_95 = arith.constant 0 : index
      %get3A_96 = arith.constant 0 : index
      %get3A_97 = vector.load %arg6[%get3A_95, %get3A_96] : memref<1x64xf32, #tpu.memory_space<vmem>>, vector<1x64xf32>
      %add3A_98 = vector.broadcast %get3A_97 : vector<1x64xf32> to vector<128x64xf32>
      %add3A_99 = arith.addf %dot_general3A_94, %add3A_98 : vector<128x64xf32>
      %max3A_100 = arith.constant 0.000000e+00 : f32
      %max3A_101 = vector.broadcast %max3A_100 : f32 to vector<128x64xf32>
      %max3A_102 = arith.maximumf %add3A_99, %max3A_101 : vector<128x64xf32>
      %get3A_103 = arith.constant 0 : index
      %get3A_104 = arith.constant 0 : index
      %get3A_105 = vector.load %arg7[%get3A_103, %get3A_104] : memref<64x32xf32, #tpu.memory_space<vmem>>, vector<64x32xf32>
      %dot_general3A_106 = arith.constant dense<0.000000e+00> : vector<128x32xf32>
      %dot_general3A_107 = tpu.matmul %max3A_102, %get3A_105, %dot_general3A_106 {dimension_numbers = #tpu.dot_dimension_numbers<[1], [0], [0], [1], [0, 0, 1, 1], [], []>, transpose_lhs_hint = false} : vector<128x64xf32>, vector<64x32xf32>, vector<128x32xf32> -> vector<128x32xf32>
      %get3A_108 = arith.constant 0 : index
      %get3A_109 = arith.constant 0 : index
      %get3A_110 = vector.load %arg8[%get3A_108, %get3A_109] : memref<1x32xf32, #tpu.memory_space<vmem>>, vector<1x32xf32>
      %add3A_111 = vector.broadcast %get3A_110 : vector<1x32xf32> to vector<128x32xf32>
      %add3A_112 = arith.addf %dot_general3A_107, %add3A_111 : vector<128x32xf32>
      %max3A_113 = arith.constant 0.000000e+00 : f32
      %max3A_114 = vector.broadcast %max3A_113 : f32 to vector<128x32xf32>
      %max3A_115 = arith.maximumf %add3A_112, %max3A_114 : vector<128x32xf32>
      %get3A_116 = arith.constant 0 : index
      %get3A_117 = arith.constant 0 : index
      %get3A_118 = vector.load %arg9[%get3A_116, %get3A_117] : memref<32x16xf32, #tpu.memory_space<vmem>>, vector<32x16xf32>
      %dot_general3A_119 = arith.constant dense<0.000000e+00> : vector<128x16xf32>
      %dot_general3A_120 = tpu.matmul %max3A_115, %get3A_118, %dot_general3A_119 {dimension_numbers = #tpu.dot_dimension_numbers<[1], [0], [0], [1], [0, 0, 1, 1], [], []>, transpose_lhs_hint = false} : vector<128x32xf32>, vector<32x16xf32>, vector<128x16xf32> -> vector<128x16xf32>
      %get3A_121 = arith.constant 0 : index
      %get3A_122 = arith.constant 0 : index
      %get3A_123 = vector.load %arg10[%get3A_121, %get3A_122] : memref<1x16xf32, #tpu.memory_space<vmem>>, vector<1x16xf32>
      %add3A_124 = vector.broadcast %get3A_123 : vector<1x16xf32> to vector<128x16xf32>
      %add3A_125 = arith.addf %dot_general3A_120, %add3A_124 : vector<128x16xf32>
      %max3A_126 = arith.constant 0.000000e+00 : f32
      %max3A_127 = vector.broadcast %max3A_126 : f32 to vector<128x16xf32>
      %max3A_128 = arith.maximumf %add3A_125, %max3A_127 : vector<128x16xf32>
      %get3A_129 = arith.constant 0 : index
      %get3A_130 = arith.constant 0 : index
      %get3A_131 = vector.load %arg11[%get3A_129, %get3A_130] : memref<16x1xf32, #tpu.memory_space<vmem>>, vector<16x1xf32>
      %dot_general3A_132 = arith.constant dense<0.000000e+00> : vector<128x1xf32>
      %dot_general3A_133 = tpu.matmul %max3A_128, %get3A_131, %dot_general3A_132 {dimension_numbers = #tpu.dot_dimension_numbers<[1], [0], [0], [1], [0, 0, 1, 1], [], []>, transpose_lhs_hint = false} : vector<128x16xf32>, vector<16x1xf32>, vector<128x1xf32> -> vector<128x1xf32>
      %get3A_134 = arith.constant 0 : index
      %get3A_135 = arith.constant 0 : index
      %get3A_136 = vector.load %arg12[%get3A_134, %get3A_135] : memref<1x1xf32, #tpu.memory_space<vmem>>, vector<1x1xf32>
      %add3A_137 = vector.broadcast %get3A_136 : vector<1x1xf32> to vector<128x1xf32>
      %add3A_138 = arith.addf %dot_general3A_133, %add3A_137 : vector<128x1xf32>
      %swap3A_139 = arith.constant 0 : index
      %swap3A_140 = arith.constant 0 : index
      %swap3A_141 = vector.load %arg13[%swap3A_139, %swap3A_140] : memref<128x1xf32, #tpu.memory_space<vmem>>, vector<128x1xf32>
      tpu.vector_store %arg13[%swap3A_139, %swap3A_140], %add3A_138 {strides = array<i32>} : memref<128x1xf32, #tpu.memory_space<vmem>>, vector<128x1xf32>,
    } else {
    }
    return
  }
  func.func @transform_0(%arg0: i32) -> (i32, i32) {
    %c0_i32 = arith.constant 0 : i32
    %c0_i32_0 = arith.constant 0 : i32
    return %arg0, %c0_i32 : i32, i32
  }
  func.func @transform_1(%arg0: i32) -> (i32, i32) {
    %c0_i32 = arith.constant 0 : i32
    %c0_i32_0 = arith.constant 0 : i32
    %c0_i32_1 = arith.constant 0 : i32
    return %c0_i32, %c0_i32_0 : i32, i32
  }
  func.func @transform_2(%arg0: i32) -> (i32, i32) {
    %c0_i32 = arith.constant 0 : i32
    %c0_i32_0 = arith.constant 0 : i32
    return %arg0, %c0_i32 : i32, i32
  }
  func.func @transform_3(%arg0: i32) -> (i32, i32) {
    %c0_i32 = arith.constant 0 : i32
    %c0_i32_0 = arith.constant 0 : i32
    %c0_i32_1 = arith.constant 0 : i32
    return %c0_i32, %c0_i32_0 : i32, i32
  }
  func.func @transform_4(%arg0: i32) -> (i32, i32) {
    %c0_i32 = arith.constant 0 : i32
    %c0_i32_0 = arith.constant 0 : i32
    %c0_i32_1 = arith.constant 0 : i32
    return %c0_i32, %c0_i32_0 : i32, i32
  }
  func.func @transform_5(%arg0: i32) -> (i32, i32) {
    %c0_i32 = arith.constant 0 : i32
    %c0_i32_0 = arith.constant 0 : i32
    %c0_i32_1 = arith.constant 0 : i32
    return %c0_i32, %c0_i32_0 : i32, i32
  }
  func.func @transform_6(%arg0: i32) -> (i32, i32) {
    %c0_i32 = arith.constant 0 : i32
    %c0_i32_0 = arith.constant 0 : i32
    %c0_i32_1 = arith.constant 0 : i32
    return %c0_i32, %c0_i32_0 : i32, i32
  }
  func.func @transform_7(%arg0: i32) -> (i32, i32) {
    %c0_i32 = arith.constant 0 : i32
    %c0_i32_0 = arith.constant 0 : i32
    %c0_i32_1 = arith.constant 0 : i32
    return %c0_i32, %c0_i32_0 : i32, i32
  }
  func.func @transform_8(%arg0: i32) -> (i32, i32) {
    %c0_i32 = arith.constant 0 : i32
    %c0_i32_0 = arith.constant 0 : i32
    %c0_i32_1 = arith.constant 0 : i32
    return %c0_i32, %c0_i32_0 : i32, i32
  }
  func.func @transform_9(%arg0: i32) -> (i32, i32) {
    %c0_i32 = arith.constant 0 : i32
    %c0_i32_0 = arith.constant 0 : i32
    %c0_i32_1 = arith.constant 0 : i32
    return %c0_i32, %c0_i32_0 : i32, i32
  }
  func.func @transform_10(%arg0: i32) -> (i32, i32) {
    %c0_i32 = arith.constant 0 : i32
    %c0_i32_0 = arith.constant 0 : i32
    %c0_i32_1 = arith.constant 0 : i32
    return %c0_i32, %c0_i32_0 : i32, i32
  }
  func.func @transform_11(%arg0: i32) -> (i32, i32) {
    %c0_i32 = arith.constant 0 : i32
    %c0_i32_0 = arith.constant 0 : i32
    %c0_i32_1 = arith.constant 0 : i32
    return %c0_i32, %c0_i32_0 : i32, i32
  }
  func.func @transform_12(%arg0: i32) -> (i32, i32) {
    %c0_i32 = arith.constant 0 : i32
    %c0_i32_0 = arith.constant 0 : i32
    %c0_i32_1 = arith.constant 0 : i32
    return %c0_i32, %c0_i32_0 : i32, i32
  }
}

</mosaic_0001>

<sc_bundles>
// kernel: kernel.11.cloned.1.call-start
scs
__scs_entry_jumppad:
0x0: {  	(pc) =	sbr.rel $0x88, $3  }
0x1: {  	(tag) =	ssettag $0x0;
	lr =	simm.s32 $0x1  }
0x2: {  	[smem:$0x3F8A] =	sst lr;
	_ =	strace $0xD0000000  }
0x3: {  	_ = 	snop  }
0x4: {  	_ = 	snop  }
0x5: {  	_ = 	snop  }
0x6: {  	_ = 	snop  }
0x7: {  	_ = 	snop  }
__scs_overlays_trampoline_lowered:
0x8: {  	[smem:$0x3F99] =	sst s0  }
0x9: {  	[smem:$0x3F9A] =	sst s1  }
0xa: {  	[smem:$0x3F9B] =	sst s2  }
0xb: {  	[smem:$0x3F9C] =	sst s3  }
0xc: {  	[smem:$0x3F9D] =	sst s4  }
0xd: {  	[smem:$0x3F9E] =	sst s5  }
0xe: {  	[smem:$0x3F9F] =	sst s6  }
0xf: {  	[smem:$0x3FA0] =	sst s7  }
0x10: {  	[smem:$0x3FA1] =	sst s8  }
0x11: {  	[smem:$0x3FA2] =	sst s9;
	s0 =	simm.s32 @!p0 $0x0  }
0x12: {  	s1 =	sld [smem:$0x3F88];
	s0 =	simm.s32 @p0 $0x1  }
0x13: {  	[smem:$0x3FA3] =	sst s0;
	s0 =	simm.s32 @!p1 $0x0  }
0x14: {  	s2 =	sld [smem:$0x3F87];
	s0 =	simm.s32 @p1 $0x1  }
0x15: {  	[smem:$0x3FA4] =	sst s0;
	s0 =	simm.s32 @!p2 $0x0  }
0x16: {  	s3 =	sld [smem:$0x3FDB];
	s0 =	simm.s32 @p2 $0x1  }
0x17: {  	s4 =	simm.s32 $0x1BF5;
	[smem:$0x3FA6] =	sst s0  }
0x18: {  	s0 =	sld [smem:$0x3F89];
	_ =	swait.ge [sflag:s4], $0x0  }
0x19: {  	s7 =	sld [smem:$0x3F8A]  }
0x1a: {  	s8 =	sadd.s32 $0xFFFFE003, lr  }
0x1b: {  	s9 =	sadd.s32 $0xFFFFFEF7, lr;
	s5 =	simm.s32 $0xFFFFFFFF;
	p2 =	slt.u32 s8, $0xFFFFF086  }
0x1c: {  	p1 =	slt.u32 s9, $0xF7A;
	s5 =	simm.s32 @!p2 $0x0  }
0x1d: {  	s5 =	simm.s32 @p1 $0x1;
	p0 =	seq.s32 s7, s2  }
0x1e: {  	s7 =	smul.u32 @!p0 $0xF7A, s2;
	p2 =	seq.s32 @!p0 s5, $0x0  }
0x1f: {  	s9 =	smul.u32 $0xF7A, s1;
	s8 =	simm.s32 @!p0 $0x1BF5;
	p2 =	por !p2, p0  }
0x20: {  	[sflag:s8] =	ssyncset.s32 @!p0 $0xFFFFF086;
	s6 =	sadd.s32 @!p0 s3, s7;
	s7 =	simm.s32 @!p0 $0x108  }
0x21: {  	s3 =	sadd.s32 s3, s9;
	s6 =	sadd.s32 @!p0 $0x88, s6;
	s7 =	simm.s32 @p2 $0x1082  }
0x22: {  	[simem:s7], [sflag:s8] =	dma.local @!p0 [hbm:s6], $0xF7A  }
0x23: {  	s9 =	sor.u32 $0xD0000000, s2;
	s6 =	simm.s32 $0x108;
	_ =	swait.ge @!p0 [sflag:s8], $0x0  }
0x24: {  	s3 =	sadd.s32 $0x88, s3;
	s6 =	simm.s32 @!p1 $0x1082;
	[sflag:s4] =	ssyncset.s32 $0xFFFFF086  }
0x25: {  	[simem:s6], [sflag:s4] =	dma.local [hbm:s3], $0xF7A  }
0x26: {  	[smem:$0x3F8A] =	sst s1;
	(tag) =	ssettag s2;
	_ =	strace s9  }
0x27: {  	s1 =	sld [smem:$0x3F9A]  }
0x28: {  	s2 =	sld [smem:$0x3F9B]  }
0x29: {  	s4 =	sld [smem:$0x3F9D]  }
0x2a: {  	p0 =	seq.s32 s5, $0x0;
	s5 =	sld [smem:$0x3F9E]  }
0x2b: {  	s6 =	sld [smem:$0x3F9F]  }
0x2c: {  	s7 =	sld [smem:$0x3FA0]  }
0x2d: {  	s3 =	simm.s32 $0x108;
	s8 =	sld [smem:$0x3FA1]  }
0x2e: {  	s3 =	simm.s32 @!p0 $0x1082;
	s9 =	sld [smem:$0x3FA2]  }
0x2f: {  	lr =	sadd.s32 s0, s3;
	s0 =	sld [smem:$0x3F99]  }
0x30: {  	s3 =	sld [smem:$0x3F9C]  }
0x31: {  	[smem:$0x3FA5] =	sst s10  }
0x32: {  	s10 =	sld [smem:$0x3FA3];
	_ =	sdelay $0x3  }
0x33: {  	p0 =	seq.s32 s10, $0x1;
	s10 =	sld [smem:$0x3FA5];
	_ =	sdelay $0x3  }
0x34: {  	[smem:$0x3FA5] =	sst s10  }
0x35: {  	s10 =	sld [smem:$0x3FA4];
	_ =	sdelay $0x3  }
0x36: {  	p1 =	seq.s32 s10, $0x1;
	s10 =	sld [smem:$0x3FA5];
	_ =	sdelay $0x3  }
0x37: {  	[smem:$0x3FA5] =	sst s10  }
0x38: {  	s10 =	sld [smem:$0x3FA6]  }
0x39: {  	_ = 	snop;
	(pc) =	sbr.ind lr, $3  }
0x3a: {  	_ = 	snop  }
0x3b: {  	_ = 	snop  }
0x3c: {  	p2 =	seq.s32 s10, $0x1;
	s10 =	sld [smem:$0x3FA5]  }
0x3d: {  	_ =	shalt  }
0x3e: {  	_ =	shalt  }
0x3f: {  	_ =	shalt  }
0x40: {  	_ =	shalt  }
0x41: {  	_ =	shalt  }
0x42: {  	_ =	shalt  }
0x43: {  	_ =	shalt  }
0x44: {  	_ =	shalt  }
0x45: {  	_ =	shalt  }
0x46: {  	_ =	shalt  }
0x47: {  	_ =	shalt  }
0x48: {  	_ =	shalt  }
0x49: {  	_ =	shalt  }
0x4a: {  	_ =	shalt  }
0x4b: {  	_ =	shalt  }
0x4c: {  	_ =	shalt  }
0x4d: {  	_ =	shalt  }
0x4e: {  	_ =	shalt  }
0x4f: {  	_ =	shalt  }
0x50: {  	_ =	shalt  }
0x51: {  	_ =	shalt  }
0x52: {  	_ =	shalt  }
0x53: {  	_ =	shalt  }
0x54: {  	_ =	shalt  }
0x55: {  	_ =	shalt  }
0x56: {  	_ =	shalt  }
0x57: {  	_ =	shalt  }
0x58: {  	_ =	shalt  }
0x59: {  	_ =	shalt  }
0x5a: {  	_ =	shalt  }
0x5b: {  	_ =	shalt  }
0x5c: {  	_ =	shalt  }
0x5d: {  	_ =	shalt  }
0x5e: {  	_ =	shalt  }
0x5f: {  	_ =	shalt  }
0x60: {  	_ =	shalt  }
0x61: {  	_ =	shalt  }
0x62: {  	_ =	shalt  }
0x63: {  	_ =	shalt  }
0x64: {  	_ =	shalt  }
0x65: {  	_ =	shalt  }
0x66: {  	_ =	shalt  }
0x67: {  	_ =	shalt  }
0x68: {  	_ =	shalt  }
0x69: {  	_ =	shalt  }
0x6a: {  	_ =	shalt  }
0x6b: {  	_ =	shalt  }
0x6c: {  	_ =	shalt  }
0x6d: {  	_ =	shalt  }
0x6e: {  	_ =	shalt  }
0x6f: {  	_ =	shalt  }
0x70: {  	_ =	shalt  }
0x71: {  	_ =	shalt  }
0x72: {  	_ =	shalt  }
0x73: {  	_ =	shalt  }
0x74: {  	_ =	shalt  }
0x75: {  	_ =	shalt  }
0x76: {  	_ =	shalt  }
0x77: {  	_ =	shalt  }
0x78: {  	_ =	shalt  }
0x79: {  	_ =	shalt  }
0x7a: {  	_ =	shalt  }
0x7b: {  	_ =	shalt  }
0x7c: {  	_ =	shalt  }
0x7d: {  	_ =	shalt  }
0x7e: {  	_ =	shalt  }
0x7f: {  	_ =	shalt  }
0x80: {  	_ =	shalt  }
0x81: {  	_ =	shalt  }
0x82: {  	_ =	shalt  }
0x83: {  	_ =	shalt  }
0x84: {  	_ =	shalt  }
0x85: {  	_ =	shalt  }
0x86: {  	_ =	shalt  }
0x87: {  	_ =	shalt  }
.Lfunc_end0:
.L_simem_size_0:
called_computation_lowered:
.L_overlay_start_0:
0x88: {  	s2 =	sld [smem:$0x3FD9]  }
0x89: {  	s3 =	sld [smem:$0x3FFE];
	_ =	sdelay $0x1  }
0x8a: {  	s1 =	srdreg.scid  }
0x8b: {  	s0 =	sand.u32 $0x1, s1  }
0x8c: {  	s16 =	sshll.u32 s0, $0xA;
	s2 =	sadd.s32 s3, s2  }
0x8d: {  	s2 =	sadd.s32 s2, s16  }
0x8e: {  	[smem:$0x3FB1] =	sst s2  }
0x8f: {  	_ = 	snop  }
0x90: {  	(tm) =	ssettm $0x1  }
0x91: {  	s17 =	sld [smem:$0x3FFB];
	_ =	sdelay $0x3  }
0x92: {  	_ =	strace s17  }
0x93: {  	s2 =	sld [smem:$0x3FFC];
	_ =	sdelay $0x3  }
0x94: {  	_ =	strace s2  }
0x95: {  	s2 =	sld [smem:$0x3FFD];
	_ =	sdelay $0x3  }
0x96: {  	_ =	strace s2  }
0x97: {  	_ =	strace $0x8FFFFFFF  }
0x98: {  	s18 =	sld [smem:$0x3FDB];
	_ =	sdelay $0x1  }
0x99: {  	s19 =	simm.s32 $_scs_section_size  }
0x9a: {  	s4 =	simm.s32 $_size__tile_overlayer_lowered;
	s5 =	simm.s32 $_tile_overlayer_lowered  }
0x9b: {  	s22 =	simm.s32 $0x1BFF;
	s21 =	sshll.u32 s5, $0x1;
	s2 =	sadd.s32 s19, s18  }
0x9c: {  	s6 =	simm.s32 $0x0;
	s20 =	sshll.u32 s4, $0x1;
	s4 =	sadd.s32 s21, s2  }
0x9d: {  	[timem:s6], [sflag:s22] =	dma.local [hbm:s4], s20  }
0x9e: {  	_ =	swait.ge [sflag:s22], s20  }
0x9f: {  	s3 =	ssub.s32 $0x0, s20;
	[sflag:s22] =	ssyncset.done $0x0  }
0xa0: {  	[sflag:s22] =	ssyncadd.s32 s3;
	_ =	sdelay $0x1  }
0xa1: {  	s23 =	simm.s32 $0x1B8B  }
0xa2: {  	_ =	swait.ge [sflag:s23], $0x1  }
0xa3: {  	[sflag:s23] =	ssyncset.done $0x0  }
0xa4: {  	s25 =	simm.s32 $0x1B8E;
	s24 =	sld [smem:$0x3FFE];
	[sflag:s23] =	ssyncadd.s32 $0xFFFFFFFF  }
0xa5: {  	s26 =	simm.s32 $execute0_lowered;
	[smem:$0x3FD2] =	sst s25  }
0xa6: {  	s4 =	sshll.u32 s26, $0x1;
	_ =	strace $0x80000046;
	[dreg:$0x1] =	wrdreg $0xFFFFFFFF  }
0xa7: {  	s28 =	simm.s32 $_size_execute0_lowered;
	s2 =	sadd.s32 s2, s4;
	[dreg:$0x0] =	wrdreg $0x0  }
0xa8: {  	s4 =	sshll.u32 s28, $0x1;
	[dreg:$0x2] =	wrdreg s2  }
0xa9: {  	[dreg:$0x3] =	wrdreg s4  }
0xaa: {  	[dreg:$0x4] =	wrdreg $0xC0  }
0xab: {  	_ =	task [dreg:s6], $0x5FFFF  }
0xac: {  	[dreg:$0x1] =	wrdreg $0xFFFFFFFF  }
0xad: {  	[dreg:$0x0] =	wrdreg $0x60  }
0xae: {  	[dreg:$0x2] =	wrdreg s24  }
0xaf: {  	[dreg:$0x3] =	wrdreg $0x11E000  }
0xb0: {  	[dreg:$0x4] =	wrdreg $0x9  }
0xb1: {  	_ =	task.clear_ibuf [dreg:s6], $0x5FFFF;
	_ =	strace $0x90000046  }
0xb2: {  	s29 =	simm.s32 $0x9;
	_ =	strace $0x80000048  }
0xb3: {  	_ =	swait.ge [sflag:s29], $0x1  }
0xb4: {  	[sflag:s29] =	ssyncadd.s32 $0xFFFFFFFF  }
0xb5: {  	_ =	strace $0x90000048  }
0xb6: {  	_ =	sfence  }
0xb7: {  	s30 =	sld [smem:$0x0];
	_ =	sdelay $0x2  }
0xb8: {  	s31 =	sshll.u32 s1, $0xD;
	s1 =	sshrl.u32 s1, $0x2  }
0xb9: {  	s3 =	sand.u32 $0x4000, s31;
	s1 =	sadd.s32 s1, s30  }
0xba: {  	s0 =	sor.u32 s3, s0;
	s1 =	sshll.u32 s1, $0x11  }
0xbb: {  	s0 =	sor.u32 s1, s0  }
0xbc: {  	s0 =	sadd.s32 $0x8F2B, s0  }
0xbd: {  	[sflag:s0] =	ssyncadd.remote.s32 $0x1  }
0xbe: {  	_ =	sfence.sel $0xFFFF  }
0xbf: {  	[dreg:$0x0] =	wrdreg $0xFFFFFFFF;
	(pc) =	sbr.abs _section_cstart, $3  }
0xc0: {  	[dreg:$0x1] =	wrdreg $0xFFFFFFFF  }
0xc1: {  	_ =	task.clear_ibuf [dreg:s6], $0x2FFFF;
	_ =	strace $0x9FFFFFFF  }
0xc2: {  	(tm) =	ssettm $0x7FFFFFFF  }
0xc3: {  	_ =	shalt  }
tec
execute0_lowered:
.L_overlay_start_1:
0x0: {  	(tag) =	ssettag $0x1  }
0x1: {  	s7 =	rddreg [dreg:$0x0]  }
0x2: {  	s0 =	srdreg.scid;
	s2 =	rddreg [dreg:$0x1]  }
0x3: {  	s3 =	simm.s32 $0x0;
	s13 =	simm.s32 $0x80;
	s14 =	simm.s32 $0x9E00  }
0x4: {  	s15 =	simm.s32 $0xBE00;
	s16 =	simm.s32 $0x7;
	s17 =	simm.s32 $0x8  }
0x5: {  	s18 =	simm.s32 $0x5;
	s6 =	sand.u32 $0x1, s0;
	s0 =	stileid.u32  }
0x6: {  	s19 =	simm.s32 $0x6;
	s20 =	simm.s32 $0x0;
	s8 =	smul.u32 $0x1400, s0  }
0x7: {  	[smem:$0x7FF] =	sst s3;
	s1 =	sshll.u32 s6, $0x4;
	s9 =	smul.u32 $0x14000, s6  }
0x8: {  	s11 =	smul.u32 $0x28000, s0;
	s6 =	ssub.s32 $0x2, s6;
	s31 =	sshll.u32 s0, $0x6  }
0x9: {  	s4 =	sor.u32 s0, s1;
	s1 =	rddreg [dreg:$0x2];
	_ =	strace $0x80000047  }
0xa: {  	s28 =	sshrl.u32 s6, $0x1;
	s5 =	smul.u32 $0x9E0, s4;
	s4 =	sadd.s32 $0x4400, s7  }
.Ltmp0:
0xb: {  	s8 =	sadd.s32 s8, s9;
	s29 =	sshrl.u32 s11, $0x2;
	(pc) =	sbr.rel .LBB2_1-.Ltmp0, $4  }
0xc: {  	s30 =	ssub.s32 s6, s28;
	s6 =	sor.u32 $0x1C09, s31;
	s9 =	sadd.s32 s8, s7  }
0xd: {  	s12 =	sadd.s32 s29, s2;
	s10 =	sadd.s32 s5, s7;
	s5 =	sadd.s32 $0x3F600, s7  }
0xe: {  	s9 =	sadd.s32 $0x40A00, s9;
	s11 =	sshrl.u32 s12, $0x3;
	s12 =	simm.s32 $0x9  }
0xf: {  	s7 =	sadd.s32 $0x2BA00, s10;
	s8 =	sadd.s32 $0x17E00, s10;
	s10 =	smax.u32 s30, $0x1  }
.LBB2_7:
0x10: {  	_ =	swait.ge [sflag:s16], $0x2000  }
0x11: {  	[sflag:s16] =	ssyncset.done $0x0  }
0x12: {  	[sflag:s16] =	ssyncadd.s32 $0xFFFFE000  }
0x13: {  	_ =	swait.ge [sflag:s17], $0x2000  }
0x14: {  	[sflag:s17] =	ssyncset.done $0x0  }
0x15: {  	[sflag:s17] =	ssyncadd.s32 $0xFFFFE000  }
0x16: {  	_ =	swait.ge [sflag:s18], $0x2000  }
0x17: {  	[sflag:s18] =	ssyncset.done $0x0  }
0x18: {  	[sflag:s18] =	ssyncadd.s32 $0xFFFFE000  }
0x19: {  	_ =	swait.ge [sflag:s19], $0x2000  }
0x1a: {  	s20 =	sadd.s32 $0x1, s20;
	[sflag:s19] =	ssyncset.done $0x0  }
0x1b: {  	p0 =	sne.s32 s20, s10;
	[sflag:s19] =	ssyncadd.s32 $0xFFFFE000  }
.Ltmp1:
0x1c: {  	[bflag:$0x0] =	sbarrier.arrive $0xFFFF;
	(pc) =	sbr.rel @!p0 .LBB2_8-.Ltmp1, $4  }
0x1d: {  	[hbm:s9], [sflag:s6] =	dma.local [spmem:s11], $0x1400  }
0x1e: {  	_ =	swait.ge [sflag:s12], $0x1400  }
0x1f: {  	[sflag:s12] =	ssyncset.done $0x0  }
0x20: {  	[sflag:s12] =	ssyncadd.s32 $0xFFFFEC00  }
.LBB2_1:
0x21: {  	[spmem:s11], [sflag:s6] =	dma.local [hbm:s5], $0x1400  }
0x22: {  	_ =	swait.ge [sflag:s12], $0x1400  }
0x23: {  	[sflag:s12] =	ssyncset.done $0x0  }
0x24: {  	[sflag:s12] =	ssyncadd.s32 $0xFFFFEC00  }
0x25: {  	[tilespmem:s3], [sflag:$0x9] =	stream.linear.gather [hbm4b:s7+s3], $0x4F00, $0x38;
	[tilespmem:$0x1BE00] =	vst v63  }
0x26: {  	_ =	swait.ge [sflag:s12], $0x4F00  }
0x27: {  	[sflag:s12] =	ssyncset.done $0x0  }
0x28: {  	s21 =	simm.s32 $0x4F00;
	[sflag:s12] =	ssyncadd.s32 $0xFFFFB100  }
0x29: {  	[tilespmem:s21], [sflag:$0x9] =	stream.linear.gather [hbm4b:s8+s3], $0x4F00, $0x38;
	[tilespmem:$0x1BE00] =	vst v63  }
0x2a: {  	_ =	swait.ge [sflag:s12], $0x4F00  }
0x2b: {  	[sflag:s12] =	ssyncset.done $0x0  }
.Ltmp2:
0x2c: {  	[sflag:s12] =	ssyncadd.s32 $0xFFFFB100;
	(pc) =	sbr.rel .LBB2_2-.Ltmp2, $4  }
0x2d: {  	[bflag:$0x0] =	sbarrier.arrive $0xFFFF  }
0x2e: {  	[tilespmem:s14], [sflag:$0x1] =	stream.indirect.gather [hbm4b:s4+s13], $0x40, s3, s13, $0xb8;
	[tilespmem:$0x1BE00] =	vst v63  }
0x2f: {  	s22 =	simm.s32 $0xFFFFFFFE;
	s23 =	simm.s32 $0x100  }
0x30: {  	[tilespmem:s15], [sflag:$0x2] =	stream.indirect.gather [hbm4b:s4+s13], $0x40, s13, s13, $0xb8;
	[tilespmem:$0x1BE00] =	vst v63  }
.LBB2_3:
0x31: {  	s24 =	sadd.s32 $0x5, s25  }
0x32: {  	_ =	swait.ge [sflag:s24], $0x2000  }
0x33: {  	[sflag:s24] =	ssyncset.done $0x0  }
0x34: {  	[sflag:s24] =	ssyncadd.s32 $0xFFFFE000  }
.LBB2_5:
0x35: {  	s24 =	sshll.u32 s25, $0xD  }
0x36: {  	s31 =	sadd.s32 $0x1, s25;
	s24 =	sor.u32 $0x9E00, s24  }
0x37: {  	[tilespmem:s24], [sflag:s31] =	stream.indirect.gather [hbm4b:s4+s13], $0x40, s23, s13, $0xb8;
	[tilespmem:$0x1BE00] =	vst v63  }
.LBB2_6:
0x38: {  	s22 =	sadd.s32 $0x1, s22  }
0x39: {  	p0 =	sne.s32 s22, $0x9C  }
.Ltmp3:
0x3a: {  	_ = 	snop;
	(pc) =	sbr.rel @!p0 .LBB2_7-.Ltmp3, $2  }
0x3b: {  	_ =	sdelay $0x2  }
0x3c: {  	s23 =	sadd.s32 $0x80, s23;
	s21 =	sadd.s32 $0x80, s21  }
.LBB2_2:
0x3d: {  	s24 =	sadd.s32 $0x2, s22  }
0x3e: {  	s25 =	sand.u32 $0x3, s24  }
0x3f: {  	p0 =	sgt.u32 s22, $0x99;
	s26 =	sadd.s32 $0x1, s25  }
.Ltmp4:
0x40: {  	_ =	swait.ge [sflag:s26], $0x2000;
	(pc) =	sbr.rel @!p0 .LBB2_3-.Ltmp4, $4  }
0x41: {  	s31 =	sadd.s32 $0x4, s22;
	s28 =	sshll.u32 s25, $0xD;
	[sflag:s26] =	ssyncset.done $0x0  }
0x42: {  	s25 =	sadd.s32 $0x5, s25;
	s28 =	sor.u32 $0x9E00, s28;
	[sflag:s26] =	ssyncadd.s32 $0xFFFFE000  }
0x43: {  	[spmem:s2] =	stream.indirect.scatter.add.f32 [tilespmem:s28], [sflag:s25], $0x40, s21, s13, $0xb8;
	[tilespmem:$0x1BE00] =	vst v63  }
0x44: {  	s25 =	sand.u32 $0x3, s31  }
0x45: {  	p0 =	sgt.u32 s24, $0x9B  }
.Ltmp5:
0x46: {  	_ = 	snop;
	(pc) =	sbr.rel @p0 .LBB2_6-.Ltmp5, $4  }
.Ltmp6:
0x47: {  	_ = 	snop;
	(pc) =	sbr.rel @!p0 .LBB2_5-.Ltmp6, $4  }
0x48: {  	_ = 	snop  }
0x49: {  	_ = 	snop  }
0x4a: {  	_ = 	snop  }
0x4b: {  	_ = 	snop  }
.LBB2_8:
0x4c: {  	_ =	sfence.sel $0x180000  }
0x4d: {  	[bflag:$0x0] =	sbarrier.arrive $0xFFFF  }
0x4e: {  	p0 =	sne.s32 s0, $0x0;
	_ =	strace $0x90000047  }
0x4f: {  	s0 =	sadd.s32 @!p0 $0x100000, s1;
	[bflag:$0x2] =	sbarrier.arrive $0xFFFF  }
0x50: {  	[sflag:s0] =	ssyncadd.tile.s32 @!p0 $0x1;
	_ =	shalt  }
.Lfunc_end2:
_tile_overlayer_lowered:
.L_overlay_start_2:
0x51: {  	(tag) =	ssettag $0x2  }
0x52: {  	s0 =	rddreg [dreg:$0x0];
	s2 =	stileid.u32  }
0x53: {  	s1 =	rddreg [dreg:$0x1];
	p0 =	sne.s32 s2, $0x0  }
0x54: {  	s3 =	rddreg [dreg:$0x2];
	[bflag:$0x3] =	sbarrier.arrive $0xFFFF;
	s2 =	simm.s32 @!p0 $0x1C09  }
0x55: {  	[timem:s3], [sflag:s2] =	dma.local @!p0 [hbm:s0], s1  }
0x56: {  	s0 =	simm.s32 @!p0 $0x9  }
0x57: {  	_ =	swait.ge @!p0 [sflag:s0], s1  }
0x58: {  	s1 =	ssub.s32 @!p0 $0x0, s1;
	[sflag:s0] =	ssyncset.done @!p0 $0x0  }
0x59: {  	[sflag:s0] =	ssyncadd.s32 @!p0 s1  }
0x5a: {  	[bflag:$0x3] =	sbarrier.arrive $0xFFFF  }
0x5b: {  	_ =	shalt  }

// kernel: kernel.14.cloned.1.call-start
scs
__scs_entry_jumppad:
0x0: {  	(pc) =	sbr.rel $0x88, $3  }
0x1: {  	(tag) =	ssettag $0x0;
	lr =	simm.s32 $0x1  }
0x2: {  	[smem:$0x3F8A] =	sst lr;
	_ =	strace $0xD0000000  }
0x3: {  	_ = 	snop  }
0x4: {  	_ = 	snop  }
0x5: {  	_ = 	snop  }
0x6: {  	_ = 	snop  }
0x7: {  	_ = 	snop  }
__scs_overlays_trampoline_lowered:
0x8: {  	[smem:$0x3F99] =	sst s0  }
0x9: {  	[smem:$0x3F9A] =	sst s1  }
0xa: {  	[smem:$0x3F9B] =	sst s2  }
0xb: {  	[smem:$0x3F9C] =	sst s3  }
0xc: {  	[smem:$0x3F9D] =	sst s4  }
0xd: {  	[smem:$0x3F9E] =	sst s5  }
0xe: {  	[smem:$0x3F9F] =	sst s6  }
0xf: {  	[smem:$0x3FA0] =	sst s7  }
0x10: {  	[smem:$0x3FA1] =	sst s8  }
0x11: {  	[smem:$0x3FA2] =	sst s9;
	s0 =	simm.s32 @!p0 $0x0  }
0x12: {  	s1 =	sld [smem:$0x3F88];
	s0 =	simm.s32 @p0 $0x1  }
0x13: {  	[smem:$0x3FA3] =	sst s0;
	s0 =	simm.s32 @!p1 $0x0  }
0x14: {  	s2 =	sld [smem:$0x3F87];
	s0 =	simm.s32 @p1 $0x1  }
0x15: {  	[smem:$0x3FA4] =	sst s0;
	s0 =	simm.s32 @!p2 $0x0  }
0x16: {  	s3 =	sld [smem:$0x3FDB];
	s0 =	simm.s32 @p2 $0x1  }
0x17: {  	s4 =	simm.s32 $0x1BF5;
	[smem:$0x3FA6] =	sst s0  }
0x18: {  	s0 =	sld [smem:$0x3F89];
	_ =	swait.ge [sflag:s4], $0x0  }
0x19: {  	s7 =	sld [smem:$0x3F8A]  }
0x1a: {  	s8 =	sadd.s32 $0xFFFFE003, lr  }
0x1b: {  	s9 =	sadd.s32 $0xFFFFFEF7, lr;
	s5 =	simm.s32 $0xFFFFFFFF;
	p2 =	slt.u32 s8, $0xFFFFF086  }
0x1c: {  	p1 =	slt.u32 s9, $0xF7A;
	s5 =	simm.s32 @!p2 $0x0  }
0x1d: {  	s5 =	simm.s32 @p1 $0x1;
	p0 =	seq.s32 s7, s2  }
0x1e: {  	s7 =	smul.u32 @!p0 $0xF7A, s2;
	p2 =	seq.s32 @!p0 s5, $0x0  }
0x1f: {  	s9 =	smul.u32 $0xF7A, s1;
	s8 =	simm.s32 @!p0 $0x1BF5;
	p2 =	por !p2, p0  }
0x20: {  	[sflag:s8] =	ssyncset.s32 @!p0 $0xFFFFF086;
	s6 =	sadd.s32 @!p0 s3, s7;
	s7 =	simm.s32 @!p0 $0x108  }
0x21: {  	s3 =	sadd.s32 s3, s9;
	s6 =	sadd.s32 @!p0 $0x88, s6;
	s7 =	simm.s32 @p2 $0x1082  }
0x22: {  	[simem:s7], [sflag:s8] =	dma.local @!p0 [hbm:s6], $0xF7A  }
0x23: {  	s9 =	sor.u32 $0xD0000000, s2;
	s6 =	simm.s32 $0x108;
	_ =	swait.ge @!p0 [sflag:s8], $0x0  }
0x24: {  	s3 =	sadd.s32 $0x88, s3;
	s6 =	simm.s32 @!p1 $0x1082;
	[sflag:s4] =	ssyncset.s32 $0xFFFFF086  }
0x25: {  	[simem:s6], [sflag:s4] =	dma.local [hbm:s3], $0xF7A  }
0x26: {  	[smem:$0x3F8A] =	sst s1;
	(tag) =	ssettag s2;
	_ =	strace s9  }
0x27: {  	s1 =	sld [smem:$0x3F9A]  }
0x28: {  	s2 =	sld [smem:$0x3F9B]  }
0x29: {  	s4 =	sld [smem:$0x3F9D]  }
0x2a: {  	p0 =	seq.s32 s5, $0x0;
	s5 =	sld [smem:$0x3F9E]  }
0x2b: {  	s6 =	sld [smem:$0x3F9F]  }
0x2c: {  	s7 =	sld [smem:$0x3FA0]  }
0x2d: {  	s3 =	simm.s32 $0x108;
	s8 =	sld [smem:$0x3FA1]  }
0x2e: {  	s3 =	simm.s32 @!p0 $0x1082;
	s9 =	sld [smem:$0x3FA2]  }
0x2f: {  	lr =	sadd.s32 s0, s3;
	s0 =	sld [smem:$0x3F99]  }
0x30: {  	s3 =	sld [smem:$0x3F9C]  }
0x31: {  	[smem:$0x3FA5] =	sst s10  }
0x32: {  	s10 =	sld [smem:$0x3FA3];
	_ =	sdelay $0x3  }
0x33: {  	p0 =	seq.s32 s10, $0x1;
	s10 =	sld [smem:$0x3FA5];
	_ =	sdelay $0x3  }
0x34: {  	[smem:$0x3FA5] =	sst s10  }
0x35: {  	s10 =	sld [smem:$0x3FA4];
	_ =	sdelay $0x3  }
0x36: {  	p1 =	seq.s32 s10, $0x1;
	s10 =	sld [smem:$0x3FA5];
	_ =	sdelay $0x3  }
0x37: {  	[smem:$0x3FA5] =	sst s10  }
0x38: {  	s10 =	sld [smem:$0x3FA6]  }
0x39: {  	_ = 	snop;
	(pc) =	sbr.ind lr, $3  }
0x3a: {  	_ = 	snop  }
0x3b: {  	_ = 	snop  }
0x3c: {  	p2 =	seq.s32 s10, $0x1;
	s10 =	sld [smem:$0x3FA5]  }
0x3d: {  	_ =	shalt  }
0x3e: {  	_ =	shalt  }
0x3f: {  	_ =	shalt  }
0x40: {  	_ =	shalt  }
0x41: {  	_ =	shalt  }
0x42: {  	_ =	shalt  }
0x43: {  	_ =	shalt  }
0x44: {  	_ =	shalt  }
0x45: {  	_ =	shalt  }
0x46: {  	_ =	shalt  }
0x47: {  	_ =	shalt  }
0x48: {  	_ =	shalt  }
0x49: {  	_ =	shalt  }
0x4a: {  	_ =	shalt  }
0x4b: {  	_ =	shalt  }
0x4c: {  	_ =	shalt  }
0x4d: {  	_ =	shalt  }
0x4e: {  	_ =	shalt  }
0x4f: {  	_ =	shalt  }
0x50: {  	_ =	shalt  }
0x51: {  	_ =	shalt  }
0x52: {  	_ =	shalt  }
0x53: {  	_ =	shalt  }
0x54: {  	_ =	shalt  }
0x55: {  	_ =	shalt  }
0x56: {  	_ =	shalt  }
0x57: {  	_ =	shalt  }
0x58: {  	_ =	shalt  }
0x59: {  	_ =	shalt  }
0x5a: {  	_ =	shalt  }
0x5b: {  	_ =	shalt  }
0x5c: {  	_ =	shalt  }
0x5d: {  	_ =	shalt  }
0x5e: {  	_ =	shalt  }
0x5f: {  	_ =	shalt  }
0x60: {  	_ =	shalt  }
0x61: {  	_ =	shalt  }
0x62: {  	_ =	shalt  }
0x63: {  	_ =	shalt  }
0x64: {  	_ =	shalt  }
0x65: {  	_ =	shalt  }
0x66: {  	_ =	shalt  }
0x67: {  	_ =	shalt  }
0x68: {  	_ =	shalt  }
0x69: {  	_ =	shalt  }
0x6a: {  	_ =	shalt  }
0x6b: {  	_ =	shalt  }
0x6c: {  	_ =	shalt  }
0x6d: {  	_ =	shalt  }
0x6e: {  	_ =	shalt  }
0x6f: {  	_ =	shalt  }
0x70: {  	_ =	shalt  }
0x71: {  	_ =	shalt  }
0x72: {  	_ =	shalt  }
0x73: {  	_ =	shalt  }
0x74: {  	_ =	shalt  }
0x75: {  	_ =	shalt  }
0x76: {  	_ =	shalt  }
0x77: {  	_ =	shalt  }
0x78: {  	_ =	shalt  }
0x79: {  	_ =	shalt  }
0x7a: {  	_ =	shalt  }
0x7b: {  	_ =	shalt  }
0x7c: {  	_ =	shalt  }
0x7d: {  	_ =	shalt  }
0x7e: {  	_ =	shalt  }
0x7f: {  	_ =	shalt  }
0x80: {  	_ =	shalt  }
0x81: {  	_ =	shalt  }
0x82: {  	_ =	shalt  }
0x83: {  	_ =	shalt  }
0x84: {  	_ =	shalt  }
0x85: {  	_ =	shalt  }
0x86: {  	_ =	shalt  }
0x87: {  	_ =	shalt  }
.Lfunc_end0:
.L_simem_size_0:
called_computation.1_lowered:
.L_overlay_start_0:
0x88: {  	s2 =	sld [smem:$0x3FD9]  }
0x89: {  	s3 =	sld [smem:$0x3FFE];
	_ =	sdelay $0x1  }
0x8a: {  	s1 =	srdreg.scid  }
0x8b: {  	s0 =	sand.u32 $0x1, s1  }
0x8c: {  	s16 =	sshll.u32 s0, $0xA;
	s2 =	sadd.s32 s3, s2  }
0x8d: {  	s2 =	sadd.s32 s2, s16  }
0x8e: {  	[smem:$0x3FB1] =	sst s2  }
0x8f: {  	_ = 	snop  }
0x90: {  	(tm) =	ssettm $0x1  }
0x91: {  	s17 =	sld [smem:$0x3FFB];
	_ =	sdelay $0x3  }
0x92: {  	_ =	strace s17  }
0x93: {  	s2 =	sld [smem:$0x3FFC];
	_ =	sdelay $0x3  }
0x94: {  	_ =	strace s2  }
0x95: {  	s2 =	sld [smem:$0x3FFD];
	_ =	sdelay $0x3  }
0x96: {  	_ =	strace s2  }
0x97: {  	_ =	strace $0x8FFFFFFF  }
0x98: {  	s18 =	sld [smem:$0x3FDB];
	_ =	sdelay $0x1  }
0x99: {  	s19 =	simm.s32 $_scs_section_size  }
0x9a: {  	s4 =	simm.s32 $_size__tile_overlayer_lowered;
	s5 =	simm.s32 $_tile_overlayer_lowered  }
0x9b: {  	s22 =	simm.s32 $0x1BFF;
	s21 =	sshll.u32 s5, $0x1;
	s2 =	sadd.s32 s19, s18  }
0x9c: {  	s6 =	simm.s32 $0x0;
	s20 =	sshll.u32 s4, $0x1;
	s4 =	sadd.s32 s21, s2  }
0x9d: {  	[timem:s6], [sflag:s22] =	dma.local [hbm:s4], s20  }
0x9e: {  	_ =	swait.ge [sflag:s22], s20  }
0x9f: {  	s3 =	ssub.s32 $0x0, s20;
	[sflag:s22] =	ssyncset.done $0x0  }
0xa0: {  	[sflag:s22] =	ssyncadd.s32 s3;
	_ =	sdelay $0x1  }
0xa1: {  	s23 =	simm.s32 $0x1B8B  }
0xa2: {  	_ =	swait.ge [sflag:s23], $0x1  }
0xa3: {  	[sflag:s23] =	ssyncset.done $0x0  }
0xa4: {  	s25 =	simm.s32 $0x1B8E;
	s24 =	sld [smem:$0x3FFE];
	[sflag:s23] =	ssyncadd.s32 $0xFFFFFFFF  }
0xa5: {  	s26 =	simm.s32 $execute0_lowered;
	[smem:$0x3FD2] =	sst s25  }
0xa6: {  	s4 =	sshll.u32 s26, $0x1;
	_ =	strace $0x80000049;
	[dreg:$0x1] =	wrdreg $0xFFFFFFFF  }
0xa7: {  	s28 =	simm.s32 $_size_execute0_lowered;
	s2 =	sadd.s32 s2, s4;
	[dreg:$0x0] =	wrdreg $0x0  }
0xa8: {  	s4 =	sshll.u32 s28, $0x1;
	[dreg:$0x2] =	wrdreg s2  }
0xa9: {  	[dreg:$0x3] =	wrdreg s4  }
0xaa: {  	[dreg:$0x4] =	wrdreg $0xC0  }
0xab: {  	_ =	task [dreg:s6], $0x5FFFF  }
0xac: {  	[dreg:$0x1] =	wrdreg $0xFFFFFFFF  }
0xad: {  	[dreg:$0x0] =	wrdreg $0x60  }
0xae: {  	[dreg:$0x2] =	wrdreg s24  }
0xaf: {  	[dreg:$0x3] =	wrdreg $0x11E000  }
0xb0: {  	[dreg:$0x4] =	wrdreg $0x9  }
0xb1: {  	_ =	task.clear_ibuf [dreg:s6], $0x5FFFF;
	_ =	strace $0x90000049  }
0xb2: {  	s29 =	simm.s32 $0x9;
	_ =	strace $0x8000004B  }
0xb3: {  	_ =	swait.ge [sflag:s29], $0x1  }
0xb4: {  	[sflag:s29] =	ssyncadd.s32 $0xFFFFFFFF  }
0xb5: {  	_ =	strace $0x9000004B  }
0xb6: {  	_ =	sfence  }
0xb7: {  	s30 =	sld [smem:$0x0];
	_ =	sdelay $0x2  }
0xb8: {  	s31 =	sshll.u32 s1, $0xD;
	s1 =	sshrl.u32 s1, $0x2  }
0xb9: {  	s3 =	sand.u32 $0x4000, s31;
	s1 =	sadd.s32 s1, s30  }
0xba: {  	s0 =	sor.u32 s3, s0;
	s1 =	sshll.u32 s1, $0x11  }
0xbb: {  	s0 =	sor.u32 s1, s0  }
0xbc: {  	s0 =	sadd.s32 $0x8F2B, s0  }
0xbd: {  	[sflag:s0] =	ssyncadd.remote.s32 $0x1  }
0xbe: {  	_ =	sfence.sel $0xFFFF  }
0xbf: {  	[dreg:$0x0] =	wrdreg $0xFFFFFFFF;
	(pc) =	sbr.abs _section_cstart, $3  }
0xc0: {  	[dreg:$0x1] =	wrdreg $0xFFFFFFFF  }
0xc1: {  	_ =	task.clear_ibuf [dreg:s6], $0x2FFFF;
	_ =	strace $0x9FFFFFFF  }
0xc2: {  	(tm) =	ssettm $0x7FFFFFFF  }
0xc3: {  	_ =	shalt  }
tec
execute0_lowered:
.L_overlay_start_1:
0x0: {  	(tag) =	ssettag $0x1  }
0x1: {  	s7 =	rddreg [dreg:$0x0]  }
0x2: {  	s0 =	srdreg.scid;
	s2 =	rddreg [dreg:$0x1]  }
0x3: {  	s3 =	simm.s32 $0x0;
	s13 =	simm.s32 $0x80;
	s14 =	simm.s32 $0x9E00  }
0x4: {  	s15 =	simm.s32 $0xBE00;
	s16 =	simm.s32 $0x7;
	s17 =	simm.s32 $0x8  }
0x5: {  	s18 =	simm.s32 $0x5;
	s6 =	sand.u32 $0x1, s0;
	s0 =	stileid.u32  }
0x6: {  	s19 =	simm.s32 $0x6;
	s20 =	simm.s32 $0x0;
	s8 =	smul.u32 $0x1400, s0  }
0x7: {  	[smem:$0x7FF] =	sst s3;
	s1 =	sshll.u32 s6, $0x4;
	s9 =	smul.u32 $0x14000, s6  }
0x8: {  	s11 =	smul.u32 $0x28000, s0;
	s6 =	ssub.s32 $0x2, s6;
	s31 =	sshll.u32 s0, $0x6  }
0x9: {  	s4 =	sor.u32 s0, s1;
	s1 =	rddreg [dreg:$0x2];
	_ =	strace $0x8000004A  }
0xa: {  	s28 =	sshrl.u32 s6, $0x1;
	s5 =	smul.u32 $0x9E0, s4;
	s4 =	sadd.s32 $0x4400, s7  }
.Ltmp0:
0xb: {  	s8 =	sadd.s32 s8, s9;
	s29 =	sshrl.u32 s11, $0x2;
	(pc) =	sbr.rel .LBB2_1-.Ltmp0, $4  }
0xc: {  	s30 =	ssub.s32 s6, s28;
	s6 =	sor.u32 $0x1C09, s31;
	s9 =	sadd.s32 s8, s7  }
0xd: {  	s12 =	sadd.s32 s29, s2;
	s10 =	sadd.s32 s5, s7;
	s5 =	sadd.s32 $0x3F600, s7  }
0xe: {  	s9 =	sadd.s32 $0x40A00, s9;
	s11 =	sshrl.u32 s12, $0x3;
	s12 =	simm.s32 $0x9  }
0xf: {  	s7 =	sadd.s32 $0x2BA00, s10;
	s8 =	sadd.s32 $0x17E00, s10;
	s10 =	smax.u32 s30, $0x1  }
.LBB2_7:
0x10: {  	_ =	swait.ge [sflag:s16], $0x2000  }
0x11: {  	[sflag:s16] =	ssyncset.done $0x0  }
0x12: {  	[sflag:s16] =	ssyncadd.s32 $0xFFFFE000  }
0x13: {  	_ =	swait.ge [sflag:s17], $0x2000  }
0x14: {  	[sflag:s17] =	ssyncset.done $0x0  }
0x15: {  	[sflag:s17] =	ssyncadd.s32 $0xFFFFE000  }
0x16: {  	_ =	swait.ge [sflag:s18], $0x2000  }
0x17: {  	[sflag:s18] =	ssyncset.done $0x0  }
0x18: {  	[sflag:s18] =	ssyncadd.s32 $0xFFFFE000  }
0x19: {  	_ =	swait.ge [sflag:s19], $0x2000  }
0x1a: {  	s20 =	sadd.s32 $0x1, s20;
	[sflag:s19] =	ssyncset.done $0x0  }
0x1b: {  	p0 =	sne.s32 s20, s10;
	[sflag:s19] =	ssyncadd.s32 $0xFFFFE000  }
.Ltmp1:
0x1c: {  	[bflag:$0x0] =	sbarrier.arrive $0xFFFF;
	(pc) =	sbr.rel @!p0 .LBB2_8-.Ltmp1, $4  }
0x1d: {  	[hbm:s9], [sflag:s6] =	dma.local [spmem:s11], $0x1400  }
0x1e: {  	_ =	swait.ge [sflag:s12], $0x1400  }
0x1f: {  	[sflag:s12] =	ssyncset.done $0x0  }
0x20: {  	[sflag:s12] =	ssyncadd.s32 $0xFFFFEC00  }
.LBB2_1:
0x21: {  	[spmem:s11], [sflag:s6] =	dma.local [hbm:s5], $0x1400  }
0x22: {  	_ =	swait.ge [sflag:s12], $0x1400  }
0x23: {  	[sflag:s12] =	ssyncset.done $0x0  }
0x24: {  	[sflag:s12] =	ssyncadd.s32 $0xFFFFEC00  }
0x25: {  	[tilespmem:s3], [sflag:$0x9] =	stream.linear.gather [hbm4b:s7+s3], $0x4F00, $0x38;
	[tilespmem:$0x1BE00] =	vst v63  }
0x26: {  	_ =	swait.ge [sflag:s12], $0x4F00  }
0x27: {  	[sflag:s12] =	ssyncset.done $0x0  }
0x28: {  	s21 =	simm.s32 $0x4F00;
	[sflag:s12] =	ssyncadd.s32 $0xFFFFB100  }
0x29: {  	[tilespmem:s21], [sflag:$0x9] =	stream.linear.gather [hbm4b:s8+s3], $0x4F00, $0x38;
	[tilespmem:$0x1BE00] =	vst v63  }
0x2a: {  	_ =	swait.ge [sflag:s12], $0x4F00  }
0x2b: {  	[sflag:s12] =	ssyncset.done $0x0  }
.Ltmp2:
0x2c: {  	[sflag:s12] =	ssyncadd.s32 $0xFFFFB100;
	(pc) =	sbr.rel .LBB2_2-.Ltmp2, $4  }
0x2d: {  	[bflag:$0x0] =	sbarrier.arrive $0xFFFF  }
0x2e: {  	[tilespmem:s14], [sflag:$0x1] =	stream.indirect.gather [hbm4b:s4+s13], $0x40, s3, s13, $0xb8;
	[tilespmem:$0x1BE00] =	vst v63  }
0x2f: {  	s22 =	simm.s32 $0xFFFFFFFE;
	s23 =	simm.s32 $0x100  }
0x30: {  	[tilespmem:s15], [sflag:$0x2] =	stream.indirect.gather [hbm4b:s4+s13], $0x40, s13, s13, $0xb8;
	[tilespmem:$0x1BE00] =	vst v63  }
.LBB2_3:
0x31: {  	s24 =	sadd.s32 $0x5, s25  }
0x32: {  	_ =	swait.ge [sflag:s24], $0x2000  }
0x33: {  	[sflag:s24] =	ssyncset.done $0x0  }
0x34: {  	[sflag:s24] =	ssyncadd.s32 $0xFFFFE000  }
.LBB2_5:
0x35: {  	s24 =	sshll.u32 s25, $0xD  }
0x36: {  	s31 =	sadd.s32 $0x1, s25;
	s24 =	sor.u32 $0x9E00, s24  }
0x37: {  	[tilespmem:s24], [sflag:s31] =	stream.indirect.gather [hbm4b:s4+s13], $0x40, s23, s13, $0xb8;
	[tilespmem:$0x1BE00] =	vst v63  }
.LBB2_6:
0x38: {  	s22 =	sadd.s32 $0x1, s22  }
0x39: {  	p0 =	sne.s32 s22, $0x9C  }
.Ltmp3:
0x3a: {  	_ = 	snop;
	(pc) =	sbr.rel @!p0 .LBB2_7-.Ltmp3, $2  }
0x3b: {  	_ =	sdelay $0x2  }
0x3c: {  	s23 =	sadd.s32 $0x80, s23;
	s21 =	sadd.s32 $0x80, s21  }
.LBB2_2:
0x3d: {  	s24 =	sadd.s32 $0x2, s22  }
0x3e: {  	s25 =	sand.u32 $0x3, s24  }
0x3f: {  	p0 =	sgt.u32 s22, $0x99;
	s26 =	sadd.s32 $0x1, s25  }
.Ltmp4:
0x40: {  	_ =	swait.ge [sflag:s26], $0x2000;
	(pc) =	sbr.rel @!p0 .LBB2_3-.Ltmp4, $4  }
0x41: {  	s31 =	sadd.s32 $0x4, s22;
	s28 =	sshll.u32 s25, $0xD;
	[sflag:s26] =	ssyncset.done $0x0  }
0x42: {  	s25 =	sadd.s32 $0x5, s25;
	s28 =	sor.u32 $0x9E00, s28;
	[sflag:s26] =	ssyncadd.s32 $0xFFFFE000  }
0x43: {  	[spmem:s2] =	stream.indirect.scatter.add.f32 [tilespmem:s28], [sflag:s25], $0x40, s21, s13, $0xb8;
	[tilespmem:$0x1BE00] =	vst v63  }
0x44: {  	s25 =	sand.u32 $0x3, s31  }
0x45: {  	p0 =	sgt.u32 s24, $0x9B  }
.Ltmp5:
0x46: {  	_ = 	snop;
	(pc) =	sbr.rel @p0 .LBB2_6-.Ltmp5, $4  }
.Ltmp6:
0x47: {  	_ = 	snop;
	(pc) =	sbr.rel @!p0 .LBB2_5-.Ltmp6, $4  }
0x48: {  	_ = 	snop  }
0x49: {  	_ = 	snop  }
0x4a: {  	_ = 	snop  }
0x4b: {  	_ = 	snop  }
.LBB2_8:
0x4c: {  	_ =	sfence.sel $0x180000  }
0x4d: {  	[bflag:$0x0] =	sbarrier.arrive $0xFFFF  }
0x4e: {  	p0 =	sne.s32 s0, $0x0;
	_ =	strace $0x9000004A  }
0x4f: {  	s0 =	sadd.s32 @!p0 $0x100000, s1;
	[bflag:$0x2] =	sbarrier.arrive $0xFFFF  }
0x50: {  	[sflag:s0] =	ssyncadd.tile.s32 @!p0 $0x1;
	_ =	shalt  }
.Lfunc_end2:
_tile_overlayer_lowered:
.L_overlay_start_2:
0x51: {  	(tag) =	ssettag $0x2  }
0x52: {  	s0 =	rddreg [dreg:$0x0];
	s2 =	stileid.u32  }
0x53: {  	s1 =	rddreg [dreg:$0x1];
	p0 =	sne.s32 s2, $0x0  }
0x54: {  	s3 =	rddreg [dreg:$0x2];
	[bflag:$0x3] =	sbarrier.arrive $0xFFFF;
	s2 =	simm.s32 @!p0 $0x1C09  }
0x55: {  	[timem:s3], [sflag:s2] =	dma.local @!p0 [hbm:s0], s1  }
0x56: {  	s0 =	simm.s32 @!p0 $0x9  }
0x57: {  	_ =	swait.ge @!p0 [sflag:s0], s1  }
0x58: {  	s1 =	ssub.s32 @!p0 $0x0, s1;
	[sflag:s0] =	ssyncset.done @!p0 $0x0  }
0x59: {  	[sflag:s0] =	ssyncadd.s32 @!p0 s1  }
0x5a: {  	[bflag:$0x3] =	sbarrier.arrive $0xFFFF  }
0x5b: {  	_ =	shalt  }

// kernel: kernel.17.cloned.1.call-start
scs
__scs_entry_jumppad:
0x0: {  	(pc) =	sbr.rel $0x88, $3  }
0x1: {  	(tag) =	ssettag $0x0;
	lr =	simm.s32 $0x1  }
0x2: {  	[smem:$0x3F8A] =	sst lr;
	_ =	strace $0xD0000000  }
0x3: {  	_ = 	snop  }
0x4: {  	_ = 	snop  }
0x5: {  	_ = 	snop  }
0x6: {  	_ = 	snop  }
0x7: {  	_ = 	snop  }
__scs_overlays_trampoline_lowered:
0x8: {  	[smem:$0x3F99] =	sst s0  }
0x9: {  	[smem:$0x3F9A] =	sst s1  }
0xa: {  	[smem:$0x3F9B] =	sst s2  }
0xb: {  	[smem:$0x3F9C] =	sst s3  }
0xc: {  	[smem:$0x3F9D] =	sst s4  }
0xd: {  	[smem:$0x3F9E] =	sst s5  }
0xe: {  	[smem:$0x3F9F] =	sst s6  }
0xf: {  	[smem:$0x3FA0] =	sst s7  }
0x10: {  	[smem:$0x3FA1] =	sst s8  }
0x11: {  	[smem:$0x3FA2] =	sst s9;
	s0 =	simm.s32 @!p0 $0x0  }
0x12: {  	s1 =	sld [smem:$0x3F88];
	s0 =	simm.s32 @p0 $0x1  }
0x13: {  	[smem:$0x3FA3] =	sst s0;
	s0 =	simm.s32 @!p1 $0x0  }
0x14: {  	s2 =	sld [smem:$0x3F87];
	s0 =	simm.s32 @p1 $0x1  }
0x15: {  	[smem:$0x3FA4] =	sst s0;
	s0 =	simm.s32 @!p2 $0x0  }
0x16: {  	s3 =	sld [smem:$0x3FDB];
	s0 =	simm.s32 @p2 $0x1  }
0x17: {  	s4 =	simm.s32 $0x1BF5;
	[smem:$0x3FA6] =	sst s0  }
0x18: {  	s0 =	sld [smem:$0x3F89];
	_ =	swait.ge [sflag:s4], $0x0  }
0x19: {  	s7 =	sld [smem:$0x3F8A]  }
0x1a: {  	s8 =	sadd.s32 $0xFFFFE003, lr  }
0x1b: {  	s9 =	sadd.s32 $0xFFFFFEF7, lr;
	s5 =	simm.s32 $0xFFFFFFFF;
	p2 =	slt.u32 s8, $0xFFFFF086  }
0x1c: {  	p1 =	slt.u32 s9, $0xF7A;
	s5 =	simm.s32 @!p2 $0x0  }
0x1d: {  	s5 =	simm.s32 @p1 $0x1;
	p0 =	seq.s32 s7, s2  }
0x1e: {  	s7 =	smul.u32 @!p0 $0xF7A, s2;
	p2 =	seq.s32 @!p0 s5, $0x0  }
0x1f: {  	s9 =	smul.u32 $0xF7A, s1;
	s8 =	simm.s32 @!p0 $0x1BF5;
	p2 =	por !p2, p0  }
0x20: {  	[sflag:s8] =	ssyncset.s32 @!p0 $0xFFFFF086;
	s6 =	sadd.s32 @!p0 s3, s7;
	s7 =	simm.s32 @!p0 $0x108  }
0x21: {  	s3 =	sadd.s32 s3, s9;
	s6 =	sadd.s32 @!p0 $0x88, s6;
	s7 =	simm.s32 @p2 $0x1082  }
0x22: {  	[simem:s7], [sflag:s8] =	dma.local @!p0 [hbm:s6], $0xF7A  }
0x23: {  	s9 =	sor.u32 $0xD0000000, s2;
	s6 =	simm.s32 $0x108;
	_ =	swait.ge @!p0 [sflag:s8], $0x0  }
0x24: {  	s3 =	sadd.s32 $0x88, s3;
	s6 =	simm.s32 @!p1 $0x1082;
	[sflag:s4] =	ssyncset.s32 $0xFFFFF086  }
0x25: {  	[simem:s6], [sflag:s4] =	dma.local [hbm:s3], $0xF7A  }
0x26: {  	[smem:$0x3F8A] =	sst s1;
	(tag) =	ssettag s2;
	_ =	strace s9  }
0x27: {  	s1 =	sld [smem:$0x3F9A]  }
0x28: {  	s2 =	sld [smem:$0x3F9B]  }
0x29: {  	s4 =	sld [smem:$0x3F9D]  }
0x2a: {  	p0 =	seq.s32 s5, $0x0;
	s5 =	sld [smem:$0x3F9E]  }
0x2b: {  	s6 =	sld [smem:$0x3F9F]  }
0x2c: {  	s7 =	sld [smem:$0x3FA0]  }
0x2d: {  	s3 =	simm.s32 $0x108;
	s8 =	sld [smem:$0x3FA1]  }
0x2e: {  	s3 =	simm.s32 @!p0 $0x1082;
	s9 =	sld [smem:$0x3FA2]  }
0x2f: {  	lr =	sadd.s32 s0, s3;
	s0 =	sld [smem:$0x3F99]  }
0x30: {  	s3 =	sld [smem:$0x3F9C]  }
0x31: {  	[smem:$0x3FA5] =	sst s10  }
0x32: {  	s10 =	sld [smem:$0x3FA3];
	_ =	sdelay $0x3  }
0x33: {  	p0 =	seq.s32 s10, $0x1;
	s10 =	sld [smem:$0x3FA5];
	_ =	sdelay $0x3  }
0x34: {  	[smem:$0x3FA5] =	sst s10  }
0x35: {  	s10 =	sld [smem:$0x3FA4];
	_ =	sdelay $0x3  }
0x36: {  	p1 =	seq.s32 s10, $0x1;
	s10 =	sld [smem:$0x3FA5];
	_ =	sdelay $0x3  }
0x37: {  	[smem:$0x3FA5] =	sst s10  }
0x38: {  	s10 =	sld [smem:$0x3FA6]  }
0x39: {  	_ = 	snop;
	(pc) =	sbr.ind lr, $3  }
0x3a: {  	_ = 	snop  }
0x3b: {  	_ = 	snop  }
0x3c: {  	p2 =	seq.s32 s10, $0x1;
	s10 =	sld [smem:$0x3FA5]  }
0x3d: {  	_ =	shalt  }
0x3e: {  	_ =	shalt  }
0x3f: {  	_ =	shalt  }
0x40: {  	_ =	shalt  }
0x41: {  	_ =	shalt  }
0x42: {  	_ =	shalt  }
0x43: {  	_ =	shalt  }
0x44: {  	_ =	shalt  }
0x45: {  	_ =	shalt  }
0x46: {  	_ =	shalt  }
0x47: {  	_ =	shalt  }
0x48: {  	_ =	shalt  }
0x49: {  	_ =	shalt  }
0x4a: {  	_ =	shalt  }
0x4b: {  	_ =	shalt  }
0x4c: {  	_ =	shalt  }
0x4d: {  	_ =	shalt  }
0x4e: {  	_ =	shalt  }
0x4f: {  	_ =	shalt  }
0x50: {  	_ =	shalt  }
0x51: {  	_ =	shalt  }
0x52: {  	_ =	shalt  }
0x53: {  	_ =	shalt  }
0x54: {  	_ =	shalt  }
0x55: {  	_ =	shalt  }
0x56: {  	_ =	shalt  }
0x57: {  	_ =	shalt  }
0x58: {  	_ =	shalt  }
0x59: {  	_ =	shalt  }
0x5a: {  	_ =	shalt  }
0x5b: {  	_ =	shalt  }
0x5c: {  	_ =	shalt  }
0x5d: {  	_ =	shalt  }
0x5e: {  	_ =	shalt  }
0x5f: {  	_ =	shalt  }
0x60: {  	_ =	shalt  }
0x61: {  	_ =	shalt  }
0x62: {  	_ =	shalt  }
0x63: {  	_ =	shalt  }
0x64: {  	_ =	shalt  }
0x65: {  	_ =	shalt  }
0x66: {  	_ =	shalt  }
0x67: {  	_ =	shalt  }
0x68: {  	_ =	shalt  }
0x69: {  	_ =	shalt  }
0x6a: {  	_ =	shalt  }
0x6b: {  	_ =	shalt  }
0x6c: {  	_ =	shalt  }
0x6d: {  	_ =	shalt  }
0x6e: {  	_ =	shalt  }
0x6f: {  	_ =	shalt  }
0x70: {  	_ =	shalt  }
0x71: {  	_ =	shalt  }
0x72: {  	_ =	shalt  }
0x73: {  	_ =	shalt  }
0x74: {  	_ =	shalt  }
0x75: {  	_ =	shalt  }
0x76: {  	_ =	shalt  }
0x77: {  	_ =	shalt  }
0x78: {  	_ =	shalt  }
0x79: {  	_ =	shalt  }
0x7a: {  	_ =	shalt  }
0x7b: {  	_ =	shalt  }
0x7c: {  	_ =	shalt  }
0x7d: {  	_ =	shalt  }
0x7e: {  	_ =	shalt  }
0x7f: {  	_ =	shalt  }
0x80: {  	_ =	shalt  }
0x81: {  	_ =	shalt  }
0x82: {  	_ =	shalt  }
0x83: {  	_ =	shalt  }
0x84: {  	_ =	shalt  }
0x85: {  	_ =	shalt  }
0x86: {  	_ =	shalt  }
0x87: {  	_ =	shalt  }
.Lfunc_end0:
.L_simem_size_0:
called_computation.2_lowered:
.L_overlay_start_0:
0x88: {  	s2 =	sld [smem:$0x3FD9]  }
0x89: {  	s3 =	sld [smem:$0x3FFE];
	_ =	sdelay $0x1  }
0x8a: {  	s1 =	srdreg.scid  }
0x8b: {  	s0 =	sand.u32 $0x1, s1  }
0x8c: {  	s16 =	sshll.u32 s0, $0xA;
	s2 =	sadd.s32 s3, s2  }
0x8d: {  	s2 =	sadd.s32 s2, s16  }
0x8e: {  	[smem:$0x3FB1] =	sst s2  }
0x8f: {  	_ = 	snop  }
0x90: {  	(tm) =	ssettm $0x1  }
0x91: {  	s17 =	sld [smem:$0x3FFB];
	_ =	sdelay $0x3  }
0x92: {  	_ =	strace s17  }
0x93: {  	s2 =	sld [smem:$0x3FFC];
	_ =	sdelay $0x3  }
0x94: {  	_ =	strace s2  }
0x95: {  	s2 =	sld [smem:$0x3FFD];
	_ =	sdelay $0x3  }
0x96: {  	_ =	strace s2  }
0x97: {  	_ =	strace $0x8FFFFFFF  }
0x98: {  	s18 =	sld [smem:$0x3FDB];
	_ =	sdelay $0x1  }
0x99: {  	s19 =	simm.s32 $_scs_section_size  }
0x9a: {  	s4 =	simm.s32 $_size__tile_overlayer_lowered;
	s5 =	simm.s32 $_tile_overlayer_lowered  }
0x9b: {  	s22 =	simm.s32 $0x1BFF;
	s21 =	sshll.u32 s5, $0x1;
	s2 =	sadd.s32 s19, s18  }
0x9c: {  	s6 =	simm.s32 $0x0;
	s20 =	sshll.u32 s4, $0x1;
	s4 =	sadd.s32 s21, s2  }
0x9d: {  	[timem:s6], [sflag:s22] =	dma.local [hbm:s4], s20  }
0x9e: {  	_ =	swait.ge [sflag:s22], s20  }
0x9f: {  	s3 =	ssub.s32 $0x0, s20;
	[sflag:s22] =	ssyncset.done $0x0  }
0xa0: {  	[sflag:s22] =	ssyncadd.s32 s3;
	_ =	sdelay $0x1  }
0xa1: {  	s23 =	simm.s32 $0x1B8B  }
0xa2: {  	_ =	swait.ge [sflag:s23], $0x1  }
0xa3: {  	[sflag:s23] =	ssyncset.done $0x0  }
0xa4: {  	s25 =	simm.s32 $0x1B8E;
	s24 =	sld [smem:$0x3FFE];
	[sflag:s23] =	ssyncadd.s32 $0xFFFFFFFF  }
0xa5: {  	s26 =	simm.s32 $execute0_lowered;
	[smem:$0x3FD2] =	sst s25  }
0xa6: {  	s4 =	sshll.u32 s26, $0x1;
	_ =	strace $0x8000004C;
	[dreg:$0x1] =	wrdreg $0xFFFFFFFF  }
0xa7: {  	s28 =	simm.s32 $_size_execute0_lowered;
	s2 =	sadd.s32 s2, s4;
	[dreg:$0x0] =	wrdreg $0x0  }
0xa8: {  	s4 =	sshll.u32 s28, $0x1;
	[dreg:$0x2] =	wrdreg s2  }
0xa9: {  	[dreg:$0x3] =	wrdreg s4  }
0xaa: {  	[dreg:$0x4] =	wrdreg $0xC0  }
0xab: {  	_ =	task [dreg:s6], $0x5FFFF  }
0xac: {  	[dreg:$0x1] =	wrdreg $0xFFFFFFFF  }
0xad: {  	[dreg:$0x0] =	wrdreg $0x60  }
0xae: {  	[dreg:$0x2] =	wrdreg s24  }
0xaf: {  	[dreg:$0x3] =	wrdreg $0x11E000  }
0xb0: {  	[dreg:$0x4] =	wrdreg $0x9  }
0xb1: {  	_ =	task.clear_ibuf [dreg:s6], $0x5FFFF;
	_ =	strace $0x9000004C  }
0xb2: {  	s29 =	simm.s32 $0x9;
	_ =	strace $0x8000004E  }
0xb3: {  	_ =	swait.ge [sflag:s29], $0x1  }
0xb4: {  	[sflag:s29] =	ssyncadd.s32 $0xFFFFFFFF  }
0xb5: {  	_ =	strace $0x9000004E  }
0xb6: {  	_ =	sfence  }
0xb7: {  	s30 =	sld [smem:$0x0];
	_ =	sdelay $0x2  }
0xb8: {  	s31 =	sshll.u32 s1, $0xD;
	s1 =	sshrl.u32 s1, $0x2  }
0xb9: {  	s3 =	sand.u32 $0x4000, s31;
	s1 =	sadd.s32 s1, s30  }
0xba: {  	s0 =	sor.u32 s3, s0;
	s1 =	sshll.u32 s1, $0x11  }
0xbb: {  	s0 =	sor.u32 s1, s0  }
0xbc: {  	s0 =	sadd.s32 $0x8F2B, s0  }
0xbd: {  	[sflag:s0] =	ssyncadd.remote.s32 $0x1  }
0xbe: {  	_ =	sfence.sel $0xFFFF  }
0xbf: {  	[dreg:$0x0] =	wrdreg $0xFFFFFFFF;
	(pc) =	sbr.abs _section_cstart, $3  }
0xc0: {  	[dreg:$0x1] =	wrdreg $0xFFFFFFFF  }
0xc1: {  	_ =	task.clear_ibuf [dreg:s6], $0x2FFFF;
	_ =	strace $0x9FFFFFFF  }
0xc2: {  	(tm) =	ssettm $0x7FFFFFFF  }
0xc3: {  	_ =	shalt  }
tec
execute0_lowered:
.L_overlay_start_1:
0x0: {  	(tag) =	ssettag $0x1  }
0x1: {  	s7 =	rddreg [dreg:$0x0]  }
0x2: {  	s0 =	srdreg.scid;
	s2 =	rddreg [dreg:$0x1]  }
0x3: {  	s3 =	simm.s32 $0x0;
	s13 =	simm.s32 $0x80;
	s14 =	simm.s32 $0x9E00  }
0x4: {  	s15 =	simm.s32 $0xBE00;
	s16 =	simm.s32 $0x7;
	s17 =	simm.s32 $0x8  }
0x5: {  	s18 =	simm.s32 $0x5;
	s6 =	sand.u32 $0x1, s0;
	s0 =	stileid.u32  }
0x6: {  	s19 =	simm.s32 $0x6;
	s20 =	simm.s32 $0x0;
	s8 =	smul.u32 $0x1400, s0  }
0x7: {  	[smem:$0x7FF] =	sst s3;
	s1 =	sshll.u32 s6, $0x4;
	s9 =	smul.u32 $0x14000, s6  }
0x8: {  	s11 =	smul.u32 $0x28000, s0;
	s6 =	ssub.s32 $0x2, s6;
	s31 =	sshll.u32 s0, $0x6  }
0x9: {  	s4 =	sor.u32 s0, s1;
	s1 =	rddreg [dreg:$0x2];
	_ =	strace $0x8000004D  }
0xa: {  	s28 =	sshrl.u32 s6, $0x1;
	s5 =	smul.u32 $0x9E0, s4;
	s4 =	sadd.s32 $0x4400, s7  }
.Ltmp0:
0xb: {  	s8 =	sadd.s32 s8, s9;
	s29 =	sshrl.u32 s11, $0x2;
	(pc) =	sbr.rel .LBB2_1-.Ltmp0, $4  }
0xc: {  	s30 =	ssub.s32 s6, s28;
	s6 =	sor.u32 $0x1C09, s31;
	s9 =	sadd.s32 s8, s7  }
0xd: {  	s12 =	sadd.s32 s29, s2;
	s10 =	sadd.s32 s5, s7;
	s5 =	sadd.s32 $0x3F600, s7  }
0xe: {  	s9 =	sadd.s32 $0x40A00, s9;
	s11 =	sshrl.u32 s12, $0x3;
	s12 =	simm.s32 $0x9  }
0xf: {  	s7 =	sadd.s32 $0x2BA00, s10;
	s8 =	sadd.s32 $0x17E00, s10;
	s10 =	smax.u32 s30, $0x1  }
.LBB2_7:
0x10: {  	_ =	swait.ge [sflag:s16], $0x2000  }
0x11: {  	[sflag:s16] =	ssyncset.done $0x0  }
0x12: {  	[sflag:s16] =	ssyncadd.s32 $0xFFFFE000  }
0x13: {  	_ =	swait.ge [sflag:s17], $0x2000  }
0x14: {  	[sflag:s17] =	ssyncset.done $0x0  }
0x15: {  	[sflag:s17] =	ssyncadd.s32 $0xFFFFE000  }
0x16: {  	_ =	swait.ge [sflag:s18], $0x2000  }
0x17: {  	[sflag:s18] =	ssyncset.done $0x0  }
0x18: {  	[sflag:s18] =	ssyncadd.s32 $0xFFFFE000  }
0x19: {  	_ =	swait.ge [sflag:s19], $0x2000  }
0x1a: {  	s20 =	sadd.s32 $0x1, s20;
	[sflag:s19] =	ssyncset.done $0x0  }
0x1b: {  	p0 =	sne.s32 s20, s10;
	[sflag:s19] =	ssyncadd.s32 $0xFFFFE000  }
.Ltmp1:
0x1c: {  	[bflag:$0x0] =	sbarrier.arrive $0xFFFF;
	(pc) =	sbr.rel @!p0 .LBB2_8-.Ltmp1, $4  }
0x1d: {  	[hbm:s9], [sflag:s6] =	dma.local [spmem:s11], $0x1400  }
0x1e: {  	_ =	swait.ge [sflag:s12], $0x1400  }
0x1f: {  	[sflag:s12] =	ssyncset.done $0x0  }
0x20: {  	[sflag:s12] =	ssyncadd.s32 $0xFFFFEC00  }
.LBB2_1:
0x21: {  	[spmem:s11], [sflag:s6] =	dma.local [hbm:s5], $0x1400  }
0x22: {  	_ =	swait.ge [sflag:s12], $0x1400  }
0x23: {  	[sflag:s12] =	ssyncset.done $0x0  }
0x24: {  	[sflag:s12] =	ssyncadd.s32 $0xFFFFEC00  }
0x25: {  	[tilespmem:s3], [sflag:$0x9] =	stream.linear.gather [hbm4b:s7+s3], $0x4F00, $0x38;
	[tilespmem:$0x1BE00] =	vst v63  }
0x26: {  	_ =	swait.ge [sflag:s12], $0x4F00  }
0x27: {  	[sflag:s12] =	ssyncset.done $0x0  }
0x28: {  	s21 =	simm.s32 $0x4F00;
	[sflag:s12] =	ssyncadd.s32 $0xFFFFB100  }
0x29: {  	[tilespmem:s21], [sflag:$0x9] =	stream.linear.gather [hbm4b:s8+s3], $0x4F00, $0x38;
	[tilespmem:$0x1BE00] =	vst v63  }
0x2a: {  	_ =	swait.ge [sflag:s12], $0x4F00  }
0x2b: {  	[sflag:s12] =	ssyncset.done $0x0  }
.Ltmp2:
0x2c: {  	[sflag:s12] =	ssyncadd.s32 $0xFFFFB100;
	(pc) =	sbr.rel .LBB2_2-.Ltmp2, $4  }
0x2d: {  	[bflag:$0x0] =	sbarrier.arrive $0xFFFF  }
0x2e: {  	[tilespmem:s14], [sflag:$0x1] =	stream.indirect.gather [hbm4b:s4+s13], $0x40, s3, s13, $0xb8;
	[tilespmem:$0x1BE00] =	vst v63  }
0x2f: {  	s22 =	simm.s32 $0xFFFFFFFE;
	s23 =	simm.s32 $0x100  }
0x30: {  	[tilespmem:s15], [sflag:$0x2] =	stream.indirect.gather [hbm4b:s4+s13], $0x40, s13, s13, $0xb8;
	[tilespmem:$0x1BE00] =	vst v63  }
.LBB2_3:
0x31: {  	s24 =	sadd.s32 $0x5, s25  }
0x32: {  	_ =	swait.ge [sflag:s24], $0x2000  }
0x33: {  	[sflag:s24] =	ssyncset.done $0x0  }
0x34: {  	[sflag:s24] =	ssyncadd.s32 $0xFFFFE000  }
.LBB2_5:
0x35: {  	s24 =	sshll.u32 s25, $0xD  }
0x36: {  	s31 =	sadd.s32 $0x1, s25;
	s24 =	sor.u32 $0x9E00, s24  }
0x37: {  	[tilespmem:s24], [sflag:s31] =	stream.indirect.gather [hbm4b:s4+s13], $0x40, s23, s13, $0xb8;
	[tilespmem:$0x1BE00] =	vst v63  }
.LBB2_6:
0x38: {  	s22 =	sadd.s32 $0x1, s22  }
0x39: {  	p0 =	sne.s32 s22, $0x9C  }
.Ltmp3:
0x3a: {  	_ = 	snop;
	(pc) =	sbr.rel @!p0 .LBB2_7-.Ltmp3, $2  }
0x3b: {  	_ =	sdelay $0x2  }
0x3c: {  	s23 =	sadd.s32 $0x80, s23;
	s21 =	sadd.s32 $0x80, s21  }
.LBB2_2:
0x3d: {  	s24 =	sadd.s32 $0x2, s22  }
0x3e: {  	s25 =	sand.u32 $0x3, s24  }
0x3f: {  	p0 =	sgt.u32 s22, $0x99;
	s26 =	sadd.s32 $0x1, s25  }
.Ltmp4:
0x40: {  	_ =	swait.ge [sflag:s26], $0x2000;
	(pc) =	sbr.rel @!p0 .LBB2_3-.Ltmp4, $4  }
0x41: {  	s31 =	sadd.s32 $0x4, s22;
	s28 =	sshll.u32 s25, $0xD;
	[sflag:s26] =	ssyncset.done $0x0  }
0x42: {  	s25 =	sadd.s32 $0x5, s25;
	s28 =	sor.u32 $0x9E00, s28;
	[sflag:s26] =	ssyncadd.s32 $0xFFFFE000  }
0x43: {  	[spmem:s2] =	stream.indirect.scatter.add.f32 [tilespmem:s28], [sflag:s25], $0x40, s21, s13, $0xb8;
	[tilespmem:$0x1BE00] =	vst v63  }
0x44: {  	s25 =	sand.u32 $0x3, s31  }
0x45: {  	p0 =	sgt.u32 s24, $0x9B  }
.Ltmp5:
0x46: {  	_ = 	snop;
	(pc) =	sbr.rel @p0 .LBB2_6-.Ltmp5, $4  }
.Ltmp6:
0x47: {  	_ = 	snop;
	(pc) =	sbr.rel @!p0 .LBB2_5-.Ltmp6, $4  }
0x48: {  	_ = 	snop  }
0x49: {  	_ = 	snop  }
0x4a: {  	_ = 	snop  }
0x4b: {  	_ = 	snop  }
.LBB2_8:
0x4c: {  	_ =	sfence.sel $0x180000  }
0x4d: {  	[bflag:$0x0] =	sbarrier.arrive $0xFFFF  }
0x4e: {  	p0 =	sne.s32 s0, $0x0;
	_ =	strace $0x9000004D  }
0x4f: {  	s0 =	sadd.s32 @!p0 $0x100000, s1;
	[bflag:$0x2] =	sbarrier.arrive $0xFFFF  }
0x50: {  	[sflag:s0] =	ssyncadd.tile.s32 @!p0 $0x1;
	_ =	shalt  }
.Lfunc_end2:
_tile_overlayer_lowered:
.L_overlay_start_2:
0x51: {  	(tag) =	ssettag $0x2  }
0x52: {  	s0 =	rddreg [dreg:$0x0];
	s2 =	stileid.u32  }
0x53: {  	s1 =	rddreg [dreg:$0x1];
	p0 =	sne.s32 s2, $0x0  }
0x54: {  	s3 =	rddreg [dreg:$0x2];
	[bflag:$0x3] =	sbarrier.arrive $0xFFFF;
	s2 =	simm.s32 @!p0 $0x1C09  }
0x55: {  	[timem:s3], [sflag:s2] =	dma.local @!p0 [hbm:s0], s1  }
0x56: {  	s0 =	simm.s32 @!p0 $0x9  }
0x57: {  	_ =	swait.ge @!p0 [sflag:s0], s1  }
0x58: {  	s1 =	ssub.s32 @!p0 $0x0, s1;
	[sflag:s0] =	ssyncset.done @!p0 $0x0  }
0x59: {  	[sflag:s0] =	ssyncadd.s32 @!p0 s1  }
0x5a: {  	[bflag:$0x3] =	sbarrier.arrive $0xFFFF  }
0x5b: {  	_ =	shalt  }

</sc_bundles>
